<compile_context>
chip_gen: v7x
topology: tpu7x:2x2x1
jax: 0.10.2.dev20260603
libtpu: 0.0.44.dev20260713+nightly
codegen_flags: <defaults>
</compile_context>

<pallas_src>
import functools

import jax
import jax.numpy as jnp
from jax import lax
from jax.experimental import pallas as pl
from jax.experimental.pallas import tpu as pltpu
from jax.experimental.pallas import tpu_sc as plsc

N = 10000
E = 320000
D = 128
HD = D // 2
NC = 2
NS = 16
CH = 128
EPT = E // NS
NBUF = 2
CH = 32
CHUNKS = -(-EPT // CH)
CHUNKS = -(-CHUNKS // NBUF) * NBUF
EPT_PAD = CHUNKS * CH
RPT = 632
NROWS = NS * RPT


@functools.cache
def _sc_agg(with_deg):
    mesh = plsc.VectorSubcoreMesh(
        core_axis_name="c", subcore_axis_name="s", num_cores=NC, num_subcores=NS)

    out_type = [jax.ShapeDtypeStruct((NC, NROWS, HD), jnp.bfloat16)]
    scratch = [
        pltpu.VMEM((CHUNKS, CH), jnp.int32),
        pltpu.VMEM((CHUNKS, CH), jnp.int32),
        [pltpu.VMEM((CH, HD), jnp.bfloat16)] * NBUF,
        [pltpu.SemaphoreType.DMA] * NBUF,
        pltpu.VMEM_SHARED((NROWS, HD), jnp.bfloat16),
    ]
    if with_deg:
        out_type.append(jax.ShapeDtypeStruct((NROWS, 16), jnp.float32))
        scratch.append(pltpu.VMEM((CH, 16), jnp.float32))
        scratch.append(pltpu.VMEM_SHARED((NROWS, 16), jnp.float32))

    def body(table, srcr, dstr, zeros, zeros16, ones16,
             parts, degout, sidx, didx, rows, gsem, acc,
             onesv=None, degacc=None):
        c = lax.axis_index("c")
        s = lax.axis_index("s")
        r0 = s * RPT
        deg_on = with_deg

        pltpu.sync_copy(zeros, acc.at[pl.ds(r0, RPT)])
        if deg_on:
            pltpu.sync_copy(zeros16, degacc.at[pl.ds(r0, RPT)])
            pltpu.sync_copy(ones16, onesv)

        pltpu.sync_copy(srcr.at[c, s], sidx)
        pltpu.sync_copy(dstr.at[s], didx)
        plsc.subcore_barrier()

        def gather(chunk, b):
            pltpu.async_copy(table.at[sidx.at[chunk]], rows[b], gsem[b])

        def wait_gather(chunk, b):
            pltpu.make_async_copy(table.at[sidx.at[chunk]], rows[b],
                                  gsem[b]).wait()

        def scatter(chunk, b):
            pltpu.sync_copy(rows[b], acc.at[didx.at[chunk]], add=True)
            if deg_on:
                @pl.when(c == 0)
                def _():
                    pltpu.sync_copy(onesv, degacc.at[didx.at[chunk]],
                                    add=True)

        gather(0, 0)

        @pl.loop(0, CHUNKS, step=NBUF)
        def _(j):
            gather(j + 1, 1)
            wait_gather(j, 0)
            scatter(j, 0)

            @pl.when(j + 2 < CHUNKS)
            def _():
                gather(j + 2, 0)

            wait_gather(j + 1, 1)
            scatter(j + 1, 1)

        plsc.subcore_barrier()

        pltpu.sync_copy(acc.at[pl.ds(r0, RPT)], parts.at[c, pl.ds(r0, RPT)])
        if deg_on:
            @pl.when(c == 0)
            def _():
                pltpu.sync_copy(degacc.at[pl.ds(r0, RPT)],
                                degout.at[pl.ds(r0, RPT)])

    if with_deg:
        fn = body
    else:
        def fn(table, srcr, dstr, zeros, zeros16, ones16, parts,
               sidx, didx, rows, gsem, acc):
            return body(table, srcr, dstr, zeros, zeros16, ones16,
                        parts, None, sidx, didx, rows, gsem, acc)

    return pl.kernel(fn, out_type=out_type, mesh=mesh, scratch_types=scratch,
                     compiler_params=pltpu.CompilerParams(
                         use_tc_tiling_on_sc=False))


BLK = 1000


def _tc_layer(relu):
    def body(p_ref, dp_ref, h_ref, wl_ref, wr_ref, b_ref, o_ref):
        agg = jnp.concatenate((p_ref[0], p_ref[1]), axis=1).astype(jnp.float32)
        deg = dp_ref[:, 0:1]
        mean = agg / jnp.maximum(deg, 1.0)
        r = jnp.dot(mean, wl_ref[...], preferred_element_type=jnp.float32)
        r = r + jnp.dot(h_ref[...], wr_ref[...], preferred_element_type=jnp.float32)
        r = r + b_ref[...]
        if relu:
            r = jnp.maximum(r, 0.0)
        o_ref[...] = r

    return pl.pallas_call(
        body,
        grid=(N // BLK,),
        in_specs=[
            pl.BlockSpec((NC, BLK, HD), lambda i: (0, i, 0)),
            pl.BlockSpec((BLK, 16), lambda i: (i, 0)),
            pl.BlockSpec((BLK, D), lambda i: (i, 0)),
            pl.BlockSpec((D, D), lambda i: (0, 0)),
            pl.BlockSpec((D, D), lambda i: (0, 0)),
            pl.BlockSpec((1, D), lambda i: (0, 0)),
        ],
        out_specs=pl.BlockSpec((BLK, D), lambda i: (i, 0)),
        out_shape=jax.ShapeDtypeStruct((N, D), jnp.float32),
    )


_tc_relu = _tc_layer(True)
_tc_lin = _tc_layer(False)


def kernel(x, edge_index, W1_l, b1, W1_r, W2_l, b2, W2_r):
    src = edge_index[0]
    dst = edge_index[1]
    pad = EPT_PAD - EPT
    s2 = (src * 2).reshape(NS, EPT)
    s2 = jnp.pad(s2, ((0, 0), (0, pad)))
    srcr = jnp.stack((s2, s2 + 1)).reshape(NC, NS, CHUNKS, CH)
    dstr = jnp.pad(dst.reshape(NS, EPT), ((0, 0), (0, pad)),
                   constant_values=N).reshape(NS, CHUNKS, CH)

    zeros = jnp.zeros((RPT, HD), jnp.bfloat16)
    zeros16 = jnp.zeros((RPT, 16), jnp.float32)
    ones16 = jnp.ones((CH, 16), jnp.float32)

    x2 = x.astype(jnp.bfloat16).reshape(2 * N, HD)
    parts1, deg = _sc_agg(True)(x2, srcr, dstr, zeros, zeros16, ones16)
    h1 = _tc_relu(parts1, deg, x, W1_l.T, W1_r.T, b1.reshape(1, D))
    (parts2,) = _sc_agg(False)(h1.astype(jnp.bfloat16).reshape(2 * N, HD), srcr, dstr,
                               zeros, zeros16, ones16)
    out = _tc_lin(parts2, deg, h1, W2_l.T, W2_r.T, b2.reshape(1, D))
    return out

# --- scband reference (transcript-rebuilt; emitter-appended) ---
"""Pipeline reference for scband-gnn-39273180954945 (READ-ONLY COPY).

The authoritative reference and input builder live on the scoring server;
editing this copy changes nothing except your own understanding.
"""

import jax, jax.numpy as jnp
import numpy as np

N_NODES = 10000
N_EDGES = 320000
D = 128


def setup_inputs(seed: int = 0) -> dict:
    key = jax.random.key(seed)
    ks = jax.random.split(key, 8)
    x = jax.random.normal(ks[0], (N_NODES, D), dtype=jnp.float32)
    edge_index = jax.random.randint(ks[1], (2, N_EDGES), 0, N_NODES, dtype=jnp.int32)
    s = 1.0 / np.sqrt(D)
    W1_l = jax.random.normal(ks[2], (D, D), dtype=jnp.float32) * s
    b1 = jnp.zeros((D,), dtype=jnp.float32)
    W1_r = jax.random.normal(ks[3], (D, D), dtype=jnp.float32) * s
    W2_l = jax.random.normal(ks[4], (D, D), dtype=jnp.float32) * s
    b2 = jnp.zeros((D,), dtype=jnp.float32)
    W2_r = jax.random.normal(ks[5], (D, D), dtype=jnp.float32) * s
    return {"x": x, "edge_index": edge_index, "W1_l": W1_l, "b1": b1, "W1_r": W1_r,
            "W2_l": W2_l, "b2": b2, "W2_r": W2_r}


def _sage_conv(h, edge_index, W_l, b_l, W_r):
    # PyG SAGEConv with aggr='mean': out = lin_l(mean_j x_j) + lin_r(x_i)
    src = edge_index[0]
    dst = edge_index[1]
    n = h.shape[0]
    msg = jnp.take(h, src, axis=0)                      # gather source node feats
    agg = jax.ops.segment_sum(msg, dst, num_segments=n) # scatter-add to dst
    deg = jax.ops.segment_sum(jnp.ones((src.shape[0],), h.dtype), dst, num_segments=n)
    mean = agg / jnp.clip(deg, 1.0)[:, None]
    return mean @ W_l.T + b_l + h @ W_r.T


def reference(x, edge_index, W1_l, b1, W1_r, W2_l, b2, W2_r):
    # layer 1: SAGEConv(128->128) -> ReLU -> Dropout (identity in eval)
    h = _sage_conv(x, edge_index, W1_l, b1, W1_r)
    h = jax.nn.relu(h)
    # dropout is identity at inference
    # layer 2: SAGEConv(128->128); last_layer='linear' adds nothing
    h = _sage_conv(h, edge_index, W2_l, b2, W2_r)
    return h

if __name__ == "__main__":
    import jax
    _d = setup_inputs()
    print(jax.jit(kernel)(*tuple(_d.values())))

</pallas_src>

<mosaic_0001>
#map = affine_map<(d0, d1) -> (0, 0)>
#map1 = affine_map<(d0, d1) -> (0, 0, 0, 0)>
#map2 = affine_map<(d0, d1) -> (0, 0, 0)>
module attributes {stable_mosaic.version = 14 : i64} {
  func.func @fn(%arg0: i32, %arg1: i32, %arg2: memref<20000x64xbf16, #tpu.memory_space<hbm>>, %arg3: memref<2x16x626x32xi32, #tpu.memory_space<hbm>>, %arg4: memref<16x626x32xi32, #tpu.memory_space<hbm>>, %arg5: memref<632x64xbf16, #tpu.memory_space<hbm>>, %arg6: memref<632x16xf32, #tpu.memory_space<hbm>>, %arg7: memref<32x16xf32, #tpu.memory_space<hbm>>, %arg8: memref<2x10112x64xbf16, #tpu.memory_space<hbm>>, %arg9: memref<626x32xi32, #tpu.memory_space<vmem>>, %arg10: memref<626x32xi32, #tpu.memory_space<vmem>>, %arg11: memref<32x64xbf16, #tpu.memory_space<vmem>>, %arg12: memref<32x64xbf16, #tpu.memory_space<vmem>>, %arg13: memref<!tpu.dma_semaphore, #tpu.memory_space<semaphore_mem>>, %arg14: memref<!tpu.dma_semaphore, #tpu.memory_space<semaphore_mem>>, %arg15: memref<10112x64xbf16, #tpu.memory_space<vmem_shared>>) attributes {dimension_semantics = [#tpu.dimension_semantics<core_parallel>, #tpu.dimension_semantics<subcore_parallel>], iteration_bounds = array<i64: 2, 16>, scalar_prefetch = 0 : i64, scratch_operands = 7 : i64, tpu.core_type = #tpu.core_type<sc_vector_subcore>, window_params = [{transform_indices = #map}, {transform_indices = #map1}, {transform_indices = #map2}, {transform_indices = #map}, {transform_indices = #map}, {transform_indices = #map}, {transform_indices = #map2}]} {
    %mul3A = arith.constant 632 : i32
    %mul3A_0 = arith.muli %arg1, %mul3A : i32
    "tpu.region"() ({
      %run_scoped3A = tpu.sem_alloc : memref<!tpu.dma_semaphore, #tpu.memory_space<semaphore_mem>>
      %dma_start3A_12 = arith.constant 0 : i32
      %dma_start3A_13 = tpu.memref_slice %arg15[%mul3A_0, %dma_start3A_12] : memref<10112x64xbf16, #tpu.memory_space<vmem_shared>> -> memref<632x64xbf16, #tpu.memory_space<vmem_shared>>
      tpu.enqueue_dma source(%arg5 : memref<632x64xbf16, #tpu.memory_space<hbm>>) target(%dma_start3A_13 : memref<632x64xbf16, #tpu.memory_space<vmem_shared>>) target_semaphore(%run_scoped3A : memref<!tpu.dma_semaphore, #tpu.memory_space<semaphore_mem>>)
      %dma_wait3A = arith.constant 0 : i32
      %dma_wait3A_14 = tpu.memref_slice %arg15[%mul3A_0, %dma_wait3A] : memref<10112x64xbf16, #tpu.memory_space<vmem_shared>> -> memref<632x64xbf16, #tpu.memory_space<vmem_shared>>
      tpu.wait_dma2 semaphore(%run_scoped3A : memref<!tpu.dma_semaphore, #tpu.memory_space<semaphore_mem>>) src(%arg5 : memref<632x64xbf16, #tpu.memory_space<hbm>>) dst(%dma_wait3A_14 : memref<632x64xbf16, #tpu.memory_space<vmem_shared>>)
      tpu.yield
    }) : () -> ()
    "tpu.region"() ({
      %run_scoped3A = tpu.sem_alloc : memref<!tpu.dma_semaphore, #tpu.memory_space<semaphore_mem>>
      %dma_start3A_12 = arith.constant 0 : i32
      %dma_start3A_13 = arith.constant 0 : i32
      %dma_start3A_14 = tpu.memref_slice %arg3[%arg0, %arg1, %dma_start3A_12, %dma_start3A_13] : memref<2x16x626x32xi32, #tpu.memory_space<hbm>> -> memref<1x1x626x32xi32, #tpu.memory_space<hbm>>
      %dma_start3A_15 = tpu.memref_squeeze %dma_start3A_14 : memref<1x1x626x32xi32, #tpu.memory_space<hbm>> -> memref<626x32xi32, #tpu.memory_space<hbm>>
      %dma_start3A_16 = arith.constant 0 : i32
      %dma_start3A_17 = arith.constant 0 : i32
      %dma_start3A_18 = tpu.memref_slice %arg3[%arg0, %arg1, %dma_start3A_16, %dma_start3A_17] : memref<2x16x626x32xi32, #tpu.memory_space<hbm>> -> memref<1x1x626x32xi32, #tpu.memory_space<hbm>>
      %dma_start3A_19 = tpu.memref_squeeze %dma_start3A_18 : memref<1x1x626x32xi32, #tpu.memory_space<hbm>> -> memref<626x32xi32, #tpu.memory_space<hbm>>
      tpu.enqueue_dma source(%dma_start3A_19 : memref<626x32xi32, #tpu.memory_space<hbm>>) target(%arg9 : memref<626x32xi32, #tpu.memory_space<vmem>>) target_semaphore(%run_scoped3A : memref<!tpu.dma_semaphore, #tpu.memory_space<semaphore_mem>>)
      %dma_wait3A = arith.constant 0 : i32
      %dma_wait3A_20 = arith.constant 0 : i32
      %dma_wait3A_21 = tpu.memref_slice %arg3[%arg0, %arg1, %dma_wait3A, %dma_wait3A_20] : memref<2x16x626x32xi32, #tpu.memory_space<hbm>> -> memref<1x1x626x32xi32, #tpu.memory_space<hbm>>
      %dma_wait3A_22 = tpu.memref_squeeze %dma_wait3A_21 : memref<1x1x626x32xi32, #tpu.memory_space<hbm>> -> memref<626x32xi32, #tpu.memory_space<hbm>>
      %dma_wait3A_23 = arith.constant 0 : i32
      %dma_wait3A_24 = arith.constant 0 : i32
      %dma_wait3A_25 = tpu.memref_slice %arg3[%arg0, %arg1, %dma_wait3A_23, %dma_wait3A_24] : memref<2x16x626x32xi32, #tpu.memory_space<hbm>> -> memref<1x1x626x32xi32, #tpu.memory_space<hbm>>
      %dma_wait3A_26 = tpu.memref_squeeze %dma_wait3A_25 : memref<1x1x626x32xi32, #tpu.memory_space<hbm>> -> memref<626x32xi32, #tpu.memory_space<hbm>>
      tpu.wait_dma2 semaphore(%run_scoped3A : memref<!tpu.dma_semaphore, #tpu.memory_space<semaphore_mem>>) src(%dma_wait3A_26 : memref<626x32xi32, #tpu.memory_space<hbm>>) dst(%arg9 : memref<626x32xi32, #tpu.memory_space<vmem>>)
      tpu.yield
    }) : () -> ()
    "tpu.region"() ({
      %run_scoped3A = tpu.sem_alloc : memref<!tpu.dma_semaphore, #tpu.memory_space<semaphore_mem>>
      %dma_start3A_12 = arith.constant 0 : i32
      %dma_start3A_13 = arith.constant 0 : i32
      %dma_start3A_14 = tpu.memref_slice %arg4[%arg1, %dma_start3A_12, %dma_start3A_13] : memref<16x626x32xi32, #tpu.memory_space<hbm>> -> memref<1x626x32xi32, #tpu.memory_space<hbm>>
      %dma_start3A_15 = tpu.memref_squeeze %dma_start3A_14 : memref<1x626x32xi32, #tpu.memory_space<hbm>> -> memref<626x32xi32, #tpu.memory_space<hbm>>
      %dma_start3A_16 = arith.constant 0 : i32
      %dma_start3A_17 = arith.constant 0 : i32
      %dma_start3A_18 = tpu.memref_slice %arg4[%arg1, %dma_start3A_16, %dma_start3A_17] : memref<16x626x32xi32, #tpu.memory_space<hbm>> -> memref<1x626x32xi32, #tpu.memory_space<hbm>>
      %dma_start3A_19 = tpu.memref_squeeze %dma_start3A_18 : memref<1x626x32xi32, #tpu.memory_space<hbm>> -> memref<626x32xi32, #tpu.memory_space<hbm>>
      tpu.enqueue_dma source(%dma_start3A_19 : memref<626x32xi32, #tpu.memory_space<hbm>>) target(%arg10 : memref<626x32xi32, #tpu.memory_space<vmem>>) target_semaphore(%run_scoped3A : memref<!tpu.dma_semaphore, #tpu.memory_space<semaphore_mem>>)
      %dma_wait3A = arith.constant 0 : i32
      %dma_wait3A_20 = arith.constant 0 : i32
      %dma_wait3A_21 = tpu.memref_slice %arg4[%arg1, %dma_wait3A, %dma_wait3A_20] : memref<16x626x32xi32, #tpu.memory_space<hbm>> -> memref<1x626x32xi32, #tpu.memory_space<hbm>>
      %dma_wait3A_22 = tpu.memref_squeeze %dma_wait3A_21 : memref<1x626x32xi32, #tpu.memory_space<hbm>> -> memref<626x32xi32, #tpu.memory_space<hbm>>
      %dma_wait3A_23 = arith.constant 0 : i32
      %dma_wait3A_24 = arith.constant 0 : i32
      %dma_wait3A_25 = tpu.memref_slice %arg4[%arg1, %dma_wait3A_23, %dma_wait3A_24] : memref<16x626x32xi32, #tpu.memory_space<hbm>> -> memref<1x626x32xi32, #tpu.memory_space<hbm>>
      %dma_wait3A_26 = tpu.memref_squeeze %dma_wait3A_25 : memref<1x626x32xi32, #tpu.memory_space<hbm>> -> memref<626x32xi32, #tpu.memory_space<hbm>>
      tpu.wait_dma2 semaphore(%run_scoped3A : memref<!tpu.dma_semaphore, #tpu.memory_space<semaphore_mem>>) src(%dma_wait3A_26 : memref<626x32xi32, #tpu.memory_space<hbm>>) dst(%arg10 : memref<626x32xi32, #tpu.memory_space<vmem>>)
      tpu.yield
    }) : () -> ()
    %barrier3A = arith.constant 0 : index
    tpu.barrier barrier_id(%barrier3A)
    %dma_start3A = arith.constant 0 : i32
    %dma_start3A_1 = arith.constant 0 : i32
    %dma_start3A_2 = tpu.memref_slice %arg9[%dma_start3A, %dma_start3A_1] : memref<626x32xi32, #tpu.memory_space<vmem>> -> memref<1x32xi32, #tpu.memory_space<vmem>>
    %dma_start3A_3 = tpu.memref_squeeze %dma_start3A_2 : memref<1x32xi32, #tpu.memory_space<vmem>> -> memref<32xi32, #tpu.memory_space<vmem>>
    %dma_start3A_4 = arith.constant 0 : i32
    %dma_start3A_5 = arith.constant 0 : i32
    %dma_start3A_6 = tpu.memref_slice %arg2[%dma_start3A_4, %dma_start3A_5] : memref<20000x64xbf16, #tpu.memory_space<hbm>> -> memref<20000x64xbf16, #tpu.memory_space<hbm>>
    tpu.enqueue_indirect_dma source(%dma_start3A_6 : memref<20000x64xbf16, #tpu.memory_space<hbm>>) target(%arg11 : memref<32x64xbf16, #tpu.memory_space<vmem>>) offsets(%dma_start3A_3 : memref<32xi32, #tpu.memory_space<vmem>>) semaphore(%arg13 : memref<!tpu.dma_semaphore, #tpu.memory_space<semaphore_mem>>)
    %scan3A = arith.constant 0 : i32
    %scan3A_7 = arith.constant 313 : i32
    %scan3A_8 = arith.addi %scan3A, %scan3A_7 : i32
    %scan3A_9 = arith.constant 1 : i32
    scf.for %scan3A_12 = %scan3A to %scan3A_8 step %scan3A_9  : i32 {
      %mul3A_13 = arith.constant 2 : i32
      %mul3A_14 = arith.muli %scan3A_12, %mul3A_13 : i32
      %add3A = arith.constant 0 : i32
      %add3A_15 = arith.addi %add3A, %mul3A_14 : i32
      %add3A_16 = arith.constant 1 : i32
      %add3A_17 = arith.addi %add3A_15, %add3A_16 : i32
      %dma_start3A_18 = arith.constant 0 : i32
      %dma_start3A_19 = tpu.memref_slice %arg9[%add3A_17, %dma_start3A_18] : memref<626x32xi32, #tpu.memory_space<vmem>> -> memref<1x32xi32, #tpu.memory_space<vmem>>
      %dma_start3A_20 = tpu.memref_squeeze %dma_start3A_19 : memref<1x32xi32, #tpu.memory_space<vmem>> -> memref<32xi32, #tpu.memory_space<vmem>>
      %dma_start3A_21 = arith.constant 0 : i32
      %dma_start3A_22 = arith.constant 0 : i32
      %dma_start3A_23 = tpu.memref_slice %arg2[%dma_start3A_21, %dma_start3A_22] : memref<20000x64xbf16, #tpu.memory_space<hbm>> -> memref<20000x64xbf16, #tpu.memory_space<hbm>>
      tpu.enqueue_indirect_dma source(%dma_start3A_23 : memref<20000x64xbf16, #tpu.memory_space<hbm>>) target(%arg12 : memref<32x64xbf16, #tpu.memory_space<vmem>>) offsets(%dma_start3A_20 : memref<32xi32, #tpu.memory_space<vmem>>) semaphore(%arg14 : memref<!tpu.dma_semaphore, #tpu.memory_space<semaphore_mem>>)
      %dma_wait3A = arith.constant 0 : i32
      %dma_wait3A_24 = tpu.memref_slice %arg9[%add3A_15, %dma_wait3A] : memref<626x32xi32, #tpu.memory_space<vmem>> -> memref<1x32xi32, #tpu.memory_space<vmem>>
      %dma_wait3A_25 = tpu.memref_squeeze %dma_wait3A_24 : memref<1x32xi32, #tpu.memory_space<vmem>> -> memref<32xi32, #tpu.memory_space<vmem>>
      %dma_wait3A_26 = arith.constant 0 : i32
      %dma_wait3A_27 = arith.constant 0 : i32
      %dma_wait3A_28 = tpu.memref_slice %arg2[%dma_wait3A_26, %dma_wait3A_27] : memref<20000x64xbf16, #tpu.memory_space<hbm>> -> memref<20000x64xbf16, #tpu.memory_space<hbm>>
      tpu.wait_indirect_dma semaphore(%arg13 : memref<!tpu.dma_semaphore, #tpu.memory_space<semaphore_mem>>) src(%dma_wait3A_28 : memref<20000x64xbf16, #tpu.memory_space<hbm>>) dst(%arg11 : memref<32x64xbf16, #tpu.memory_space<vmem>>)
      "tpu.region"() ({
        %run_scoped3A = tpu.sem_alloc : memref<!tpu.dma_semaphore, #tpu.memory_space<semaphore_mem>>
        %dma_start3A_43 = arith.constant 0 : i32
        %dma_start3A_44 = tpu.memref_slice %arg10[%add3A_15, %dma_start3A_43] : memref<626x32xi32, #tpu.memory_space<vmem>> -> memref<1x32xi32, #tpu.memory_space<vmem>>
        %dma_start3A_45 = tpu.memref_squeeze %dma_start3A_44 : memref<1x32xi32, #tpu.memory_space<vmem>> -> memref<32xi32, #tpu.memory_space<vmem>>
        %dma_start3A_46 = arith.constant 0 : i32
        %dma_start3A_47 = arith.constant 0 : i32
        %dma_start3A_48 = tpu.memref_slice %arg15[%dma_start3A_46, %dma_start3A_47] : memref<10112x64xbf16, #tpu.memory_space<vmem_shared>> -> memref<10112x64xbf16, #tpu.memory_space<vmem_shared>>
        tpu.enqueue_indirect_dma source(%arg11 : memref<32x64xbf16, #tpu.memory_space<vmem>>) target(%dma_start3A_48 : memref<10112x64xbf16, #tpu.memory_space<vmem_shared>>) offsets(%dma_start3A_45 : memref<32xi32, #tpu.memory_space<vmem>>) semaphore(%run_scoped3A : memref<!tpu.dma_semaphore, #tpu.memory_space<semaphore_mem>>) {add = true}
        %dma_wait3A_49 = arith.constant 0 : i32
        %dma_wait3A_50 = tpu.memref_slice %arg10[%add3A_15, %dma_wait3A_49] : memref<626x32xi32, #tpu.memory_space<vmem>> -> memref<1x32xi32, #tpu.memory_space<vmem>>
        %dma_wait3A_51 = tpu.memref_squeeze %dma_wait3A_50 : memref<1x32xi32, #tpu.memory_space<vmem>> -> memref<32xi32, #tpu.memory_space<vmem>>
        %dma_wait3A_52 = arith.constant 0 : i32
        %dma_wait3A_53 = arith.constant 0 : i32
        %dma_wait3A_54 = tpu.memref_slice %arg15[%dma_wait3A_52, %dma_wait3A_53] : memref<10112x64xbf16, #tpu.memory_space<vmem_shared>> -> memref<10112x64xbf16, #tpu.memory_space<vmem_shared>>
        tpu.wait_indirect_dma semaphore(%run_scoped3A : memref<!tpu.dma_semaphore, #tpu.memory_space<semaphore_mem>>) src(%arg11 : memref<32x64xbf16, #tpu.memory_space<vmem>>) dst(%dma_wait3A_54 : memref<10112x64xbf16, #tpu.memory_space<vmem_shared>>)
        tpu.yield
      }) : () -> ()
      %add3A_29 = arith.constant 2 : i32
      %add3A_30 = arith.addi %add3A_15, %add3A_29 : i32
      %lt3A = arith.constant 626 : i32
      %lt3A_31 = arith.cmpi slt, %add3A_30, %lt3A : i32
      %convert_element_type3A = arith.extui %lt3A_31 : i1 to i32
      %cond3A = arith.constant 0 : i32
      %cond3A_32 = arith.cmpi ne, %convert_element_type3A, %cond3A : i32
      scf.if %cond3A_32 {
        %add3A_43 = arith.constant 2 : i32
        %add3A_44 = arith.addi %add3A_15, %add3A_43 : i32
        %dma_start3A_45 = arith.constant 0 : i32
        %dma_start3A_46 = tpu.memref_slice %arg9[%add3A_44, %dma_start3A_45] : memref<626x32xi32, #tpu.memory_space<vmem>> -> memref<1x32xi32, #tpu.memory_space<vmem>>
        %dma_start3A_47 = tpu.memref_squeeze %dma_start3A_46 : memref<1x32xi32, #tpu.memory_space<vmem>> -> memref<32xi32, #tpu.memory_space<vmem>>
        %dma_start3A_48 = arith.constant 0 : i32
        %dma_start3A_49 = arith.constant 0 : i32
        %dma_start3A_50 = tpu.memref_slice %arg2[%dma_start3A_48, %dma_start3A_49] : memref<20000x64xbf16, #tpu.memory_space<hbm>> -> memref<20000x64xbf16, #tpu.memory_space<hbm>>
        tpu.enqueue_indirect_dma source(%dma_start3A_50 : memref<20000x64xbf16, #tpu.memory_space<hbm>>) target(%arg11 : memref<32x64xbf16, #tpu.memory_space<vmem>>) offsets(%dma_start3A_47 : memref<32xi32, #tpu.memory_space<vmem>>) semaphore(%arg13 : memref<!tpu.dma_semaphore, #tpu.memory_space<semaphore_mem>>)
      } else {
      }
      %add3A_33 = arith.constant 1 : i32
      %add3A_34 = arith.addi %add3A_15, %add3A_33 : i32
      %dma_wait3A_35 = arith.constant 0 : i32
      %dma_wait3A_36 = tpu.memref_slice %arg9[%add3A_34, %dma_wait3A_35] : memref<626x32xi32, #tpu.memory_space<vmem>> -> memref<1x32xi32, #tpu.memory_space<vmem>>
      %dma_wait3A_37 = tpu.memref_squeeze %dma_wait3A_36 : memref<1x32xi32, #tpu.memory_space<vmem>> -> memref<32xi32, #tpu.memory_space<vmem>>
      %dma_wait3A_38 = arith.constant 0 : i32
      %dma_wait3A_39 = arith.constant 0 : i32
      %dma_wait3A_40 = tpu.memref_slice %arg2[%dma_wait3A_38, %dma_wait3A_39] : memref<20000x64xbf16, #tpu.memory_space<hbm>> -> memref<20000x64xbf16, #tpu.memory_space<hbm>>
      tpu.wait_indirect_dma semaphore(%arg14 : memref<!tpu.dma_semaphore, #tpu.memory_space<semaphore_mem>>) src(%dma_wait3A_40 : memref<20000x64xbf16, #tpu.memory_space<hbm>>) dst(%arg12 : memref<32x64xbf16, #tpu.memory_space<vmem>>)
      %add3A_41 = arith.constant 1 : i32
      %add3A_42 = arith.addi %add3A_15, %add3A_41 : i32
      "tpu.region"() ({
        %run_scoped3A = tpu.sem_alloc : memref<!tpu.dma_semaphore, #tpu.memory_space<semaphore_mem>>
        %dma_start3A_43 = arith.constant 0 : i32
        %dma_start3A_44 = tpu.memref_slice %arg10[%add3A_42, %dma_start3A_43] : memref<626x32xi32, #tpu.memory_space<vmem>> -> memref<1x32xi32, #tpu.memory_space<vmem>>
        %dma_start3A_45 = tpu.memref_squeeze %dma_start3A_44 : memref<1x32xi32, #tpu.memory_space<vmem>> -> memref<32xi32, #tpu.memory_space<vmem>>
        %dma_start3A_46 = arith.constant 0 : i32
        %dma_start3A_47 = arith.constant 0 : i32
        %dma_start3A_48 = tpu.memref_slice %arg15[%dma_start3A_46, %dma_start3A_47] : memref<10112x64xbf16, #tpu.memory_space<vmem_shared>> -> memref<10112x64xbf16, #tpu.memory_space<vmem_shared>>
        tpu.enqueue_indirect_dma source(%arg12 : memref<32x64xbf16, #tpu.memory_space<vmem>>) target(%dma_start3A_48 : memref<10112x64xbf16, #tpu.memory_space<vmem_shared>>) offsets(%dma_start3A_45 : memref<32xi32, #tpu.memory_space<vmem>>) semaphore(%run_scoped3A : memref<!tpu.dma_semaphore, #tpu.memory_space<semaphore_mem>>) {add = true}
        %dma_wait3A_49 = arith.constant 0 : i32
        %dma_wait3A_50 = tpu.memref_slice %arg10[%add3A_42, %dma_wait3A_49] : memref<626x32xi32, #tpu.memory_space<vmem>> -> memref<1x32xi32, #tpu.memory_space<vmem>>
        %dma_wait3A_51 = tpu.memref_squeeze %dma_wait3A_50 : memref<1x32xi32, #tpu.memory_space<vmem>> -> memref<32xi32, #tpu.memory_space<vmem>>
        %dma_wait3A_52 = arith.constant 0 : i32
        %dma_wait3A_53 = arith.constant 0 : i32
        %dma_wait3A_54 = tpu.memref_slice %arg15[%dma_wait3A_52, %dma_wait3A_53] : memref<10112x64xbf16, #tpu.memory_space<vmem_shared>> -> memref<10112x64xbf16, #tpu.memory_space<vmem_shared>>
        tpu.wait_indirect_dma semaphore(%run_scoped3A : memref<!tpu.dma_semaphore, #tpu.memory_space<semaphore_mem>>) src(%arg12 : memref<32x64xbf16, #tpu.memory_space<vmem>>) dst(%dma_wait3A_54 : memref<10112x64xbf16, #tpu.memory_space<vmem_shared>>)
        tpu.yield
      }) : () -> ()
    }
    %scan3A_10 = arith.constant 313 : i32
    %barrier3A_11 = arith.constant 0 : index
    tpu.barrier barrier_id(%barrier3A_11)
    "tpu.region"() ({
      %run_scoped3A = tpu.sem_alloc : memref<!tpu.dma_semaphore, #tpu.memory_space<semaphore_mem>>
      %dma_start3A_12 = arith.constant 0 : i32
      %dma_start3A_13 = tpu.memref_slice %arg8[%arg0, %mul3A_0, %dma_start3A_12] : memref<2x10112x64xbf16, #tpu.memory_space<hbm>> -> memref<1x632x64xbf16, #tpu.memory_space<hbm>>
      %dma_start3A_14 = tpu.memref_squeeze %dma_start3A_13 : memref<1x632x64xbf16, #tpu.memory_space<hbm>> -> memref<632x64xbf16, #tpu.memory_space<hbm>>
      %dma_start3A_15 = arith.constant 0 : i32
      %dma_start3A_16 = tpu.memref_slice %arg15[%mul3A_0, %dma_start3A_15] : memref<10112x64xbf16, #tpu.memory_space<vmem_shared>> -> memref<632x64xbf16, #tpu.memory_space<vmem_shared>>
      tpu.enqueue_dma source(%dma_start3A_16 : memref<632x64xbf16, #tpu.memory_space<vmem_shared>>) target(%dma_start3A_14 : memref<632x64xbf16, #tpu.memory_space<hbm>>) target_semaphore(%run_scoped3A : memref<!tpu.dma_semaphore, #tpu.memory_space<semaphore_mem>>)
      %dma_wait3A = arith.constant 0 : i32
      %dma_wait3A_17 = tpu.memref_slice %arg8[%arg0, %mul3A_0, %dma_wait3A] : memref<2x10112x64xbf16, #tpu.memory_space<hbm>> -> memref<1x632x64xbf16, #tpu.memory_space<hbm>>
      %dma_wait3A_18 = tpu.memref_squeeze %dma_wait3A_17 : memref<1x632x64xbf16, #tpu.memory_space<hbm>> -> memref<632x64xbf16, #tpu.memory_space<hbm>>
      %dma_wait3A_19 = arith.constant 0 : i32
      %dma_wait3A_20 = tpu.memref_slice %arg15[%mul3A_0, %dma_wait3A_19] : memref<10112x64xbf16, #tpu.memory_space<vmem_shared>> -> memref<632x64xbf16, #tpu.memory_space<vmem_shared>>
      tpu.wait_dma2 semaphore(%run_scoped3A : memref<!tpu.dma_semaphore, #tpu.memory_space<semaphore_mem>>) src(%dma_wait3A_20 : memref<632x64xbf16, #tpu.memory_space<vmem_shared>>) dst(%dma_wait3A_18 : memref<632x64xbf16, #tpu.memory_space<hbm>>)
      tpu.yield
    }) : () -> ()
    return
  }
}

#map = affine_map<(d0, d1) -> (0, 0)>
#map1 = affine_map<(d0, d1) -> (0, 0, 0, 0)>
#map2 = affine_map<(d0, d1) -> (0, 0, 0)>
module attributes {stable_mosaic.version = 14 : i64} {
  func.func @body(%arg0: i32, %arg1: i32, %arg2: memref<20000x64xbf16, #tpu.memory_space<hbm>>, %arg3: memref<2x16x626x32xi32, #tpu.memory_space<hbm>>, %arg4: memref<16x626x32xi32, #tpu.memory_space<hbm>>, %arg5: memref<632x64xbf16, #tpu.memory_space<hbm>>, %arg6: memref<632x16xf32, #tpu.memory_space<hbm>>, %arg7: memref<32x16xf32, #tpu.memory_space<hbm>>, %arg8: memref<2x10112x64xbf16, #tpu.memory_space<hbm>>, %arg9: memref<10112x16xf32, #tpu.memory_space<hbm>>, %arg10: memref<626x32xi32, #tpu.memory_space<vmem>>, %arg11: memref<626x32xi32, #tpu.memory_space<vmem>>, %arg12: memref<32x64xbf16, #tpu.memory_space<vmem>>, %arg13: memref<32x64xbf16, #tpu.memory_space<vmem>>, %arg14: memref<!tpu.dma_semaphore, #tpu.memory_space<semaphore_mem>>, %arg15: memref<!tpu.dma_semaphore, #tpu.memory_space<semaphore_mem>>, %arg16: memref<10112x64xbf16, #tpu.memory_space<vmem_shared>>, %arg17: memref<32x16xf32, #tpu.memory_space<vmem>>, %arg18: memref<10112x16xf32, #tpu.memory_space<vmem_shared>>) attributes {dimension_semantics = [#tpu.dimension_semantics<core_parallel>, #tpu.dimension_semantics<subcore_parallel>], iteration_bounds = array<i64: 2, 16>, scalar_prefetch = 0 : i64, scratch_operands = 9 : i64, tpu.core_type = #tpu.core_type<sc_vector_subcore>, window_params = [{transform_indices = #map}, {transform_indices = #map1}, {transform_indices = #map2}, {transform_indices = #map}, {transform_indices = #map}, {transform_indices = #map}, {transform_indices = #map2}, {transform_indices = #map}]} {
    %mul3A = arith.constant 632 : i32
    %mul3A_0 = arith.muli %arg1, %mul3A : i32
    "tpu.region"() ({
      %run_scoped3A = tpu.sem_alloc : memref<!tpu.dma_semaphore, #tpu.memory_space<semaphore_mem>>
      %dma_start3A_14 = arith.constant 0 : i32
      %dma_start3A_15 = tpu.memref_slice %arg16[%mul3A_0, %dma_start3A_14] : memref<10112x64xbf16, #tpu.memory_space<vmem_shared>> -> memref<632x64xbf16, #tpu.memory_space<vmem_shared>>
      tpu.enqueue_dma source(%arg5 : memref<632x64xbf16, #tpu.memory_space<hbm>>) target(%dma_start3A_15 : memref<632x64xbf16, #tpu.memory_space<vmem_shared>>) target_semaphore(%run_scoped3A : memref<!tpu.dma_semaphore, #tpu.memory_space<semaphore_mem>>)
      %dma_wait3A = arith.constant 0 : i32
      %dma_wait3A_16 = tpu.memref_slice %arg16[%mul3A_0, %dma_wait3A] : memref<10112x64xbf16, #tpu.memory_space<vmem_shared>> -> memref<632x64xbf16, #tpu.memory_space<vmem_shared>>
      tpu.wait_dma2 semaphore(%run_scoped3A : memref<!tpu.dma_semaphore, #tpu.memory_space<semaphore_mem>>) src(%arg5 : memref<632x64xbf16, #tpu.memory_space<hbm>>) dst(%dma_wait3A_16 : memref<632x64xbf16, #tpu.memory_space<vmem_shared>>)
      tpu.yield
    }) : () -> ()
    "tpu.region"() ({
      %run_scoped3A = tpu.sem_alloc : memref<!tpu.dma_semaphore, #tpu.memory_space<semaphore_mem>>
      %dma_start3A_14 = arith.constant 0 : i32
      %dma_start3A_15 = tpu.memref_slice %arg18[%mul3A_0, %dma_start3A_14] : memref<10112x16xf32, #tpu.memory_space<vmem_shared>> -> memref<632x16xf32, #tpu.memory_space<vmem_shared>>
      tpu.enqueue_dma source(%arg6 : memref<632x16xf32, #tpu.memory_space<hbm>>) target(%dma_start3A_15 : memref<632x16xf32, #tpu.memory_space<vmem_shared>>) target_semaphore(%run_scoped3A : memref<!tpu.dma_semaphore, #tpu.memory_space<semaphore_mem>>)
      %dma_wait3A = arith.constant 0 : i32
      %dma_wait3A_16 = tpu.memref_slice %arg18[%mul3A_0, %dma_wait3A] : memref<10112x16xf32, #tpu.memory_space<vmem_shared>> -> memref<632x16xf32, #tpu.memory_space<vmem_shared>>
      tpu.wait_dma2 semaphore(%run_scoped3A : memref<!tpu.dma_semaphore, #tpu.memory_space<semaphore_mem>>) src(%arg6 : memref<632x16xf32, #tpu.memory_space<hbm>>) dst(%dma_wait3A_16 : memref<632x16xf32, #tpu.memory_space<vmem_shared>>)
      tpu.yield
    }) : () -> ()
    "tpu.region"() ({
      %run_scoped3A = tpu.sem_alloc : memref<!tpu.dma_semaphore, #tpu.memory_space<semaphore_mem>>
      tpu.enqueue_dma source(%arg7 : memref<32x16xf32, #tpu.memory_space<hbm>>) target(%arg17 : memref<32x16xf32, #tpu.memory_space<vmem>>) target_semaphore(%run_scoped3A : memref<!tpu.dma_semaphore, #tpu.memory_space<semaphore_mem>>)
      tpu.wait_dma2 semaphore(%run_scoped3A : memref<!tpu.dma_semaphore, #tpu.memory_space<semaphore_mem>>) src(%arg7 : memref<32x16xf32, #tpu.memory_space<hbm>>) dst(%arg17 : memref<32x16xf32, #tpu.memory_space<vmem>>)
      tpu.yield
    }) : () -> ()
    "tpu.region"() ({
      %run_scoped3A = tpu.sem_alloc : memref<!tpu.dma_semaphore, #tpu.memory_space<semaphore_mem>>
      %dma_start3A_14 = arith.constant 0 : i32
      %dma_start3A_15 = arith.constant 0 : i32
      %dma_start3A_16 = tpu.memref_slice %arg3[%arg0, %arg1, %dma_start3A_14, %dma_start3A_15] : memref<2x16x626x32xi32, #tpu.memory_space<hbm>> -> memref<1x1x626x32xi32, #tpu.memory_space<hbm>>
      %dma_start3A_17 = tpu.memref_squeeze %dma_start3A_16 : memref<1x1x626x32xi32, #tpu.memory_space<hbm>> -> memref<626x32xi32, #tpu.memory_space<hbm>>
      %dma_start3A_18 = arith.constant 0 : i32
      %dma_start3A_19 = arith.constant 0 : i32
      %dma_start3A_20 = tpu.memref_slice %arg3[%arg0, %arg1, %dma_start3A_18, %dma_start3A_19] : memref<2x16x626x32xi32, #tpu.memory_space<hbm>> -> memref<1x1x626x32xi32, #tpu.memory_space<hbm>>
      %dma_start3A_21 = tpu.memref_squeeze %dma_start3A_20 : memref<1x1x626x32xi32, #tpu.memory_space<hbm>> -> memref<626x32xi32, #tpu.memory_space<hbm>>
      tpu.enqueue_dma source(%dma_start3A_21 : memref<626x32xi32, #tpu.memory_space<hbm>>) target(%arg10 : memref<626x32xi32, #tpu.memory_space<vmem>>) target_semaphore(%run_scoped3A : memref<!tpu.dma_semaphore, #tpu.memory_space<semaphore_mem>>)
      %dma_wait3A = arith.constant 0 : i32
      %dma_wait3A_22 = arith.constant 0 : i32
      %dma_wait3A_23 = tpu.memref_slice %arg3[%arg0, %arg1, %dma_wait3A, %dma_wait3A_22] : memref<2x16x626x32xi32, #tpu.memory_space<hbm>> -> memref<1x1x626x32xi32, #tpu.memory_space<hbm>>
      %dma_wait3A_24 = tpu.memref_squeeze %dma_wait3A_23 : memref<1x1x626x32xi32, #tpu.memory_space<hbm>> -> memref<626x32xi32, #tpu.memory_space<hbm>>
      %dma_wait3A_25 = arith.constant 0 : i32
      %dma_wait3A_26 = arith.constant 0 : i32
      %dma_wait3A_27 = tpu.memref_slice %arg3[%arg0, %arg1, %dma_wait3A_25, %dma_wait3A_26] : memref<2x16x626x32xi32, #tpu.memory_space<hbm>> -> memref<1x1x626x32xi32, #tpu.memory_space<hbm>>
      %dma_wait3A_28 = tpu.memref_squeeze %dma_wait3A_27 : memref<1x1x626x32xi32, #tpu.memory_space<hbm>> -> memref<626x32xi32, #tpu.memory_space<hbm>>
      tpu.wait_dma2 semaphore(%run_scoped3A : memref<!tpu.dma_semaphore, #tpu.memory_space<semaphore_mem>>) src(%dma_wait3A_28 : memref<626x32xi32, #tpu.memory_space<hbm>>) dst(%arg10 : memref<626x32xi32, #tpu.memory_space<vmem>>)
      tpu.yield
    }) : () -> ()
    "tpu.region"() ({
      %run_scoped3A = tpu.sem_alloc : memref<!tpu.dma_semaphore, #tpu.memory_space<semaphore_mem>>
      %dma_start3A_14 = arith.constant 0 : i32
      %dma_start3A_15 = arith.constant 0 : i32
      %dma_start3A_16 = tpu.memref_slice %arg4[%arg1, %dma_start3A_14, %dma_start3A_15] : memref<16x626x32xi32, #tpu.memory_space<hbm>> -> memref<1x626x32xi32, #tpu.memory_space<hbm>>
      %dma_start3A_17 = tpu.memref_squeeze %dma_start3A_16 : memref<1x626x32xi32, #tpu.memory_space<hbm>> -> memref<626x32xi32, #tpu.memory_space<hbm>>
      %dma_start3A_18 = arith.constant 0 : i32
      %dma_start3A_19 = arith.constant 0 : i32
      %dma_start3A_20 = tpu.memref_slice %arg4[%arg1, %dma_start3A_18, %dma_start3A_19] : memref<16x626x32xi32, #tpu.memory_space<hbm>> -> memref<1x626x32xi32, #tpu.memory_space<hbm>>
      %dma_start3A_21 = tpu.memref_squeeze %dma_start3A_20 : memref<1x626x32xi32, #tpu.memory_space<hbm>> -> memref<626x32xi32, #tpu.memory_space<hbm>>
      tpu.enqueue_dma source(%dma_start3A_21 : memref<626x32xi32, #tpu.memory_space<hbm>>) target(%arg11 : memref<626x32xi32, #tpu.memory_space<vmem>>) target_semaphore(%run_scoped3A : memref<!tpu.dma_semaphore, #tpu.memory_space<semaphore_mem>>)
      %dma_wait3A = arith.constant 0 : i32
      %dma_wait3A_22 = arith.constant 0 : i32
      %dma_wait3A_23 = tpu.memref_slice %arg4[%arg1, %dma_wait3A, %dma_wait3A_22] : memref<16x626x32xi32, #tpu.memory_space<hbm>> -> memref<1x626x32xi32, #tpu.memory_space<hbm>>
      %dma_wait3A_24 = tpu.memref_squeeze %dma_wait3A_23 : memref<1x626x32xi32, #tpu.memory_space<hbm>> -> memref<626x32xi32, #tpu.memory_space<hbm>>
      %dma_wait3A_25 = arith.constant 0 : i32
      %dma_wait3A_26 = arith.constant 0 : i32
      %dma_wait3A_27 = tpu.memref_slice %arg4[%arg1, %dma_wait3A_25, %dma_wait3A_26] : memref<16x626x32xi32, #tpu.memory_space<hbm>> -> memref<1x626x32xi32, #tpu.memory_space<hbm>>
      %dma_wait3A_28 = tpu.memref_squeeze %dma_wait3A_27 : memref<1x626x32xi32, #tpu.memory_space<hbm>> -> memref<626x32xi32, #tpu.memory_space<hbm>>
      tpu.wait_dma2 semaphore(%run_scoped3A : memref<!tpu.dma_semaphore, #tpu.memory_space<semaphore_mem>>) src(%dma_wait3A_28 : memref<626x32xi32, #tpu.memory_space<hbm>>) dst(%arg11 : memref<626x32xi32, #tpu.memory_space<vmem>>)
      tpu.yield
    }) : () -> ()
    %barrier3A = arith.constant 0 : index
    tpu.barrier barrier_id(%barrier3A)
    %dma_start3A = arith.constant 0 : i32
    %dma_start3A_1 = arith.constant 0 : i32
    %dma_start3A_2 = tpu.memref_slice %arg10[%dma_start3A, %dma_start3A_1] : memref<626x32xi32, #tpu.memory_space<vmem>> -> memref<1x32xi32, #tpu.memory_space<vmem>>
    %dma_start3A_3 = tpu.memref_squeeze %dma_start3A_2 : memref<1x32xi32, #tpu.memory_space<vmem>> -> memref<32xi32, #tpu.memory_space<vmem>>
    %dma_start3A_4 = arith.constant 0 : i32
    %dma_start3A_5 = arith.constant 0 : i32
    %dma_start3A_6 = tpu.memref_slice %arg2[%dma_start3A_4, %dma_start3A_5] : memref<20000x64xbf16, #tpu.memory_space<hbm>> -> memref<20000x64xbf16, #tpu.memory_space<hbm>>
    tpu.enqueue_indirect_dma source(%dma_start3A_6 : memref<20000x64xbf16, #tpu.memory_space<hbm>>) target(%arg12 : memref<32x64xbf16, #tpu.memory_space<vmem>>) offsets(%dma_start3A_3 : memref<32xi32, #tpu.memory_space<vmem>>) semaphore(%arg14 : memref<!tpu.dma_semaphore, #tpu.memory_space<semaphore_mem>>)
    %scan3A = arith.constant 0 : i32
    %scan3A_7 = arith.constant 313 : i32
    %scan3A_8 = arith.addi %scan3A, %scan3A_7 : i32
    %scan3A_9 = arith.constant 1 : i32
    scf.for %scan3A_14 = %scan3A to %scan3A_8 step %scan3A_9  : i32 {
      %mul3A_15 = arith.constant 2 : i32
      %mul3A_16 = arith.muli %scan3A_14, %mul3A_15 : i32
      %add3A = arith.constant 0 : i32
      %add3A_17 = arith.addi %add3A, %mul3A_16 : i32
      %add3A_18 = arith.constant 1 : i32
      %add3A_19 = arith.addi %add3A_17, %add3A_18 : i32
      %dma_start3A_20 = arith.constant 0 : i32
      %dma_start3A_21 = tpu.memref_slice %arg10[%add3A_19, %dma_start3A_20] : memref<626x32xi32, #tpu.memory_space<vmem>> -> memref<1x32xi32, #tpu.memory_space<vmem>>
      %dma_start3A_22 = tpu.memref_squeeze %dma_start3A_21 : memref<1x32xi32, #tpu.memory_space<vmem>> -> memref<32xi32, #tpu.memory_space<vmem>>
      %dma_start3A_23 = arith.constant 0 : i32
      %dma_start3A_24 = arith.constant 0 : i32
      %dma_start3A_25 = tpu.memref_slice %arg2[%dma_start3A_23, %dma_start3A_24] : memref<20000x64xbf16, #tpu.memory_space<hbm>> -> memref<20000x64xbf16, #tpu.memory_space<hbm>>
      tpu.enqueue_indirect_dma source(%dma_start3A_25 : memref<20000x64xbf16, #tpu.memory_space<hbm>>) target(%arg13 : memref<32x64xbf16, #tpu.memory_space<vmem>>) offsets(%dma_start3A_22 : memref<32xi32, #tpu.memory_space<vmem>>) semaphore(%arg15 : memref<!tpu.dma_semaphore, #tpu.memory_space<semaphore_mem>>)
      %dma_wait3A = arith.constant 0 : i32
      %dma_wait3A_26 = tpu.memref_slice %arg10[%add3A_17, %dma_wait3A] : memref<626x32xi32, #tpu.memory_space<vmem>> -> memref<1x32xi32, #tpu.memory_space<vmem>>
      %dma_wait3A_27 = tpu.memref_squeeze %dma_wait3A_26 : memref<1x32xi32, #tpu.memory_space<vmem>> -> memref<32xi32, #tpu.memory_space<vmem>>
      %dma_wait3A_28 = arith.constant 0 : i32
      %dma_wait3A_29 = arith.constant 0 : i32
      %dma_wait3A_30 = tpu.memref_slice %arg2[%dma_wait3A_28, %dma_wait3A_29] : memref<20000x64xbf16, #tpu.memory_space<hbm>> -> memref<20000x64xbf16, #tpu.memory_space<hbm>>
      tpu.wait_indirect_dma semaphore(%arg14 : memref<!tpu.dma_semaphore, #tpu.memory_space<semaphore_mem>>) src(%dma_wait3A_30 : memref<20000x64xbf16, #tpu.memory_space<hbm>>) dst(%arg12 : memref<32x64xbf16, #tpu.memory_space<vmem>>)
      "tpu.region"() ({
        %run_scoped3A = tpu.sem_alloc : memref<!tpu.dma_semaphore, #tpu.memory_space<semaphore_mem>>
        %dma_start3A_57 = arith.constant 0 : i32
        %dma_start3A_58 = tpu.memref_slice %arg11[%add3A_17, %dma_start3A_57] : memref<626x32xi32, #tpu.memory_space<vmem>> -> memref<1x32xi32, #tpu.memory_space<vmem>>
        %dma_start3A_59 = tpu.memref_squeeze %dma_start3A_58 : memref<1x32xi32, #tpu.memory_space<vmem>> -> memref<32xi32, #tpu.memory_space<vmem>>
        %dma_start3A_60 = arith.constant 0 : i32
        %dma_start3A_61 = arith.constant 0 : i32
        %dma_start3A_62 = tpu.memref_slice %arg16[%dma_start3A_60, %dma_start3A_61] : memref<10112x64xbf16, #tpu.memory_space<vmem_shared>> -> memref<10112x64xbf16, #tpu.memory_space<vmem_shared>>
        tpu.enqueue_indirect_dma source(%arg12 : memref<32x64xbf16, #tpu.memory_space<vmem>>) target(%dma_start3A_62 : memref<10112x64xbf16, #tpu.memory_space<vmem_shared>>) offsets(%dma_start3A_59 : memref<32xi32, #tpu.memory_space<vmem>>) semaphore(%run_scoped3A : memref<!tpu.dma_semaphore, #tpu.memory_space<semaphore_mem>>) {add = true}
        %dma_wait3A_63 = arith.constant 0 : i32
        %dma_wait3A_64 = tpu.memref_slice %arg11[%add3A_17, %dma_wait3A_63] : memref<626x32xi32, #tpu.memory_space<vmem>> -> memref<1x32xi32, #tpu.memory_space<vmem>>
        %dma_wait3A_65 = tpu.memref_squeeze %dma_wait3A_64 : memref<1x32xi32, #tpu.memory_space<vmem>> -> memref<32xi32, #tpu.memory_space<vmem>>
        %dma_wait3A_66 = arith.constant 0 : i32
        %dma_wait3A_67 = arith.constant 0 : i32
        %dma_wait3A_68 = tpu.memref_slice %arg16[%dma_wait3A_66, %dma_wait3A_67] : memref<10112x64xbf16, #tpu.memory_space<vmem_shared>> -> memref<10112x64xbf16, #tpu.memory_space<vmem_shared>>
        tpu.wait_indirect_dma semaphore(%run_scoped3A : memref<!tpu.dma_semaphore, #tpu.memory_space<semaphore_mem>>) src(%arg12 : memref<32x64xbf16, #tpu.memory_space<vmem>>) dst(%dma_wait3A_68 : memref<10112x64xbf16, #tpu.memory_space<vmem_shared>>)
        tpu.yield
      }) : () -> ()
      %eq3A_31 = arith.constant 0 : i32
      %eq3A_32 = arith.cmpi eq, %arg0, %eq3A_31 : i32
      %convert_element_type3A_33 = arith.extui %eq3A_32 : i1 to i32
      %cond3A_34 = arith.constant 0 : i32
      %cond3A_35 = arith.cmpi ne, %convert_element_type3A_33, %cond3A_34 : i32
      scf.if %cond3A_35 {
        "tpu.region"() ({
          %run_scoped3A = tpu.sem_alloc : memref<!tpu.dma_semaphore, #tpu.memory_space<semaphore_mem>>
          %dma_start3A_57 = arith.constant 0 : i32
          %dma_start3A_58 = tpu.memref_slice %arg11[%add3A_17, %dma_start3A_57] : memref<626x32xi32, #tpu.memory_space<vmem>> -> memref<1x32xi32, #tpu.memory_space<vmem>>
          %dma_start3A_59 = tpu.memref_squeeze %dma_start3A_58 : memref<1x32xi32, #tpu.memory_space<vmem>> -> memref<32xi32, #tpu.memory_space<vmem>>
          %dma_start3A_60 = arith.constant 0 : i32
          %dma_start3A_61 = arith.constant 0 : i32
          %dma_start3A_62 = tpu.memref_slice %arg18[%dma_start3A_60, %dma_start3A_61] : memref<10112x16xf32, #tpu.memory_space<vmem_shared>> -> memref<10112x16xf32, #tpu.memory_space<vmem_shared>>
          tpu.enqueue_indirect_dma source(%arg17 : memref<32x16xf32, #tpu.memory_space<vmem>>) target(%dma_start3A_62 : memref<10112x16xf32, #tpu.memory_space<vmem_shared>>) offsets(%dma_start3A_59 : memref<32xi32, #tpu.memory_space<vmem>>) semaphore(%run_scoped3A : memref<!tpu.dma_semaphore, #tpu.memory_space<semaphore_mem>>) {add = true}
          %dma_wait3A_63 = arith.constant 0 : i32
          %dma_wait3A_64 = tpu.memref_slice %arg11[%add3A_17, %dma_wait3A_63] : memref<626x32xi32, #tpu.memory_space<vmem>> -> memref<1x32xi32, #tpu.memory_space<vmem>>
          %dma_wait3A_65 = tpu.memref_squeeze %dma_wait3A_64 : memref<1x32xi32, #tpu.memory_space<vmem>> -> memref<32xi32, #tpu.memory_space<vmem>>
          %dma_wait3A_66 = arith.constant 0 : i32
          %dma_wait3A_67 = arith.constant 0 : i32
          %dma_wait3A_68 = tpu.memref_slice %arg18[%dma_wait3A_66, %dma_wait3A_67] : memref<10112x16xf32, #tpu.memory_space<vmem_shared>> -> memref<10112x16xf32, #tpu.memory_space<vmem_shared>>
          tpu.wait_indirect_dma semaphore(%run_scoped3A : memref<!tpu.dma_semaphore, #tpu.memory_space<semaphore_mem>>) src(%arg17 : memref<32x16xf32, #tpu.memory_space<vmem>>) dst(%dma_wait3A_68 : memref<10112x16xf32, #tpu.memory_space<vmem_shared>>)
          tpu.yield
        }) : () -> ()
      } else {
      }
      %add3A_36 = arith.constant 2 : i32
      %add3A_37 = arith.addi %add3A_17, %add3A_36 : i32
      %lt3A = arith.constant 626 : i32
      %lt3A_38 = arith.cmpi slt, %add3A_37, %lt3A : i32
      %convert_element_type3A_39 = arith.extui %lt3A_38 : i1 to i32
      %cond3A_40 = arith.constant 0 : i32
      %cond3A_41 = arith.cmpi ne, %convert_element_type3A_39, %cond3A_40 : i32
      scf.if %cond3A_41 {
        %add3A_57 = arith.constant 2 : i32
        %add3A_58 = arith.addi %add3A_17, %add3A_57 : i32
        %dma_start3A_59 = arith.constant 0 : i32
        %dma_start3A_60 = tpu.memref_slice %arg10[%add3A_58, %dma_start3A_59] : memref<626x32xi32, #tpu.memory_space<vmem>> -> memref<1x32xi32, #tpu.memory_space<vmem>>
        %dma_start3A_61 = tpu.memref_squeeze %dma_start3A_60 : memref<1x32xi32, #tpu.memory_space<vmem>> -> memref<32xi32, #tpu.memory_space<vmem>>
        %dma_start3A_62 = arith.constant 0 : i32
        %dma_start3A_63 = arith.constant 0 : i32
        %dma_start3A_64 = tpu.memref_slice %arg2[%dma_start3A_62, %dma_start3A_63] : memref<20000x64xbf16, #tpu.memory_space<hbm>> -> memref<20000x64xbf16, #tpu.memory_space<hbm>>
        tpu.enqueue_indirect_dma source(%dma_start3A_64 : memref<20000x64xbf16, #tpu.memory_space<hbm>>) target(%arg12 : memref<32x64xbf16, #tpu.memory_space<vmem>>) offsets(%dma_start3A_61 : memref<32xi32, #tpu.memory_space<vmem>>) semaphore(%arg14 : memref<!tpu.dma_semaphore, #tpu.memory_space<semaphore_mem>>)
      } else {
      }
      %add3A_42 = arith.constant 1 : i32
      %add3A_43 = arith.addi %add3A_17, %add3A_42 : i32
      %dma_wait3A_44 = arith.constant 0 : i32
      %dma_wait3A_45 = tpu.memref_slice %arg10[%add3A_43, %dma_wait3A_44] : memref<626x32xi32, #tpu.memory_space<vmem>> -> memref<1x32xi32, #tpu.memory_space<vmem>>
      %dma_wait3A_46 = tpu.memref_squeeze %dma_wait3A_45 : memref<1x32xi32, #tpu.memory_space<vmem>> -> memref<32xi32, #tpu.memory_space<vmem>>
      %dma_wait3A_47 = arith.constant 0 : i32
      %dma_wait3A_48 = arith.constant 0 : i32
      %dma_wait3A_49 = tpu.memref_slice %arg2[%dma_wait3A_47, %dma_wait3A_48] : memref<20000x64xbf16, #tpu.memory_space<hbm>> -> memref<20000x64xbf16, #tpu.memory_space<hbm>>
      tpu.wait_indirect_dma semaphore(%arg15 : memref<!tpu.dma_semaphore, #tpu.memory_space<semaphore_mem>>) src(%dma_wait3A_49 : memref<20000x64xbf16, #tpu.memory_space<hbm>>) dst(%arg13 : memref<32x64xbf16, #tpu.memory_space<vmem>>)
      %add3A_50 = arith.constant 1 : i32
      %add3A_51 = arith.addi %add3A_17, %add3A_50 : i32
      "tpu.region"() ({
        %run_scoped3A = tpu.sem_alloc : memref<!tpu.dma_semaphore, #tpu.memory_space<semaphore_mem>>
        %dma_start3A_57 = arith.constant 0 : i32
        %dma_start3A_58 = tpu.memref_slice %arg11[%add3A_51, %dma_start3A_57] : memref<626x32xi32, #tpu.memory_space<vmem>> -> memref<1x32xi32, #tpu.memory_space<vmem>>
        %dma_start3A_59 = tpu.memref_squeeze %dma_start3A_58 : memref<1x32xi32, #tpu.memory_space<vmem>> -> memref<32xi32, #tpu.memory_space<vmem>>
        %dma_start3A_60 = arith.constant 0 : i32
        %dma_start3A_61 = arith.constant 0 : i32
        %dma_start3A_62 = tpu.memref_slice %arg16[%dma_start3A_60, %dma_start3A_61] : memref<10112x64xbf16, #tpu.memory_space<vmem_shared>> -> memref<10112x64xbf16, #tpu.memory_space<vmem_shared>>
        tpu.enqueue_indirect_dma source(%arg13 : memref<32x64xbf16, #tpu.memory_space<vmem>>) target(%dma_start3A_62 : memref<10112x64xbf16, #tpu.memory_space<vmem_shared>>) offsets(%dma_start3A_59 : memref<32xi32, #tpu.memory_space<vmem>>) semaphore(%run_scoped3A : memref<!tpu.dma_semaphore, #tpu.memory_space<semaphore_mem>>) {add = true}
        %dma_wait3A_63 = arith.constant 0 : i32
        %dma_wait3A_64 = tpu.memref_slice %arg11[%add3A_51, %dma_wait3A_63] : memref<626x32xi32, #tpu.memory_space<vmem>> -> memref<1x32xi32, #tpu.memory_space<vmem>>
        %dma_wait3A_65 = tpu.memref_squeeze %dma_wait3A_64 : memref<1x32xi32, #tpu.memory_space<vmem>> -> memref<32xi32, #tpu.memory_space<vmem>>
        %dma_wait3A_66 = arith.constant 0 : i32
        %dma_wait3A_67 = arith.constant 0 : i32
        %dma_wait3A_68 = tpu.memref_slice %arg16[%dma_wait3A_66, %dma_wait3A_67] : memref<10112x64xbf16, #tpu.memory_space<vmem_shared>> -> memref<10112x64xbf16, #tpu.memory_space<vmem_shared>>
        tpu.wait_indirect_dma semaphore(%run_scoped3A : memref<!tpu.dma_semaphore, #tpu.memory_space<semaphore_mem>>) src(%arg13 : memref<32x64xbf16, #tpu.memory_space<vmem>>) dst(%dma_wait3A_68 : memref<10112x64xbf16, #tpu.memory_space<vmem_shared>>)
        tpu.yield
      }) : () -> ()
      %eq3A_52 = arith.constant 0 : i32
      %eq3A_53 = arith.cmpi eq, %arg0, %eq3A_52 : i32
      %convert_element_type3A_54 = arith.extui %eq3A_53 : i1 to i32
      %cond3A_55 = arith.constant 0 : i32
      %cond3A_56 = arith.cmpi ne, %convert_element_type3A_54, %cond3A_55 : i32
      scf.if %cond3A_56 {
        "tpu.region"() ({
          %run_scoped3A = tpu.sem_alloc : memref<!tpu.dma_semaphore, #tpu.memory_space<semaphore_mem>>
          %dma_start3A_57 = arith.constant 0 : i32
          %dma_start3A_58 = tpu.memref_slice %arg11[%add3A_51, %dma_start3A_57] : memref<626x32xi32, #tpu.memory_space<vmem>> -> memref<1x32xi32, #tpu.memory_space<vmem>>
          %dma_start3A_59 = tpu.memref_squeeze %dma_start3A_58 : memref<1x32xi32, #tpu.memory_space<vmem>> -> memref<32xi32, #tpu.memory_space<vmem>>
          %dma_start3A_60 = arith.constant 0 : i32
          %dma_start3A_61 = arith.constant 0 : i32
          %dma_start3A_62 = tpu.memref_slice %arg18[%dma_start3A_60, %dma_start3A_61] : memref<10112x16xf32, #tpu.memory_space<vmem_shared>> -> memref<10112x16xf32, #tpu.memory_space<vmem_shared>>
          tpu.enqueue_indirect_dma source(%arg17 : memref<32x16xf32, #tpu.memory_space<vmem>>) target(%dma_start3A_62 : memref<10112x16xf32, #tpu.memory_space<vmem_shared>>) offsets(%dma_start3A_59 : memref<32xi32, #tpu.memory_space<vmem>>) semaphore(%run_scoped3A : memref<!tpu.dma_semaphore, #tpu.memory_space<semaphore_mem>>) {add = true}
          %dma_wait3A_63 = arith.constant 0 : i32
          %dma_wait3A_64 = tpu.memref_slice %arg11[%add3A_51, %dma_wait3A_63] : memref<626x32xi32, #tpu.memory_space<vmem>> -> memref<1x32xi32, #tpu.memory_space<vmem>>
          %dma_wait3A_65 = tpu.memref_squeeze %dma_wait3A_64 : memref<1x32xi32, #tpu.memory_space<vmem>> -> memref<32xi32, #tpu.memory_space<vmem>>
          %dma_wait3A_66 = arith.constant 0 : i32
          %dma_wait3A_67 = arith.constant 0 : i32
          %dma_wait3A_68 = tpu.memref_slice %arg18[%dma_wait3A_66, %dma_wait3A_67] : memref<10112x16xf32, #tpu.memory_space<vmem_shared>> -> memref<10112x16xf32, #tpu.memory_space<vmem_shared>>
          tpu.wait_indirect_dma semaphore(%run_scoped3A : memref<!tpu.dma_semaphore, #tpu.memory_space<semaphore_mem>>) src(%arg17 : memref<32x16xf32, #tpu.memory_space<vmem>>) dst(%dma_wait3A_68 : memref<10112x16xf32, #tpu.memory_space<vmem_shared>>)
          tpu.yield
        }) : () -> ()
      } else {
      }
    }
    %scan3A_10 = arith.constant 313 : i32
    %barrier3A_11 = arith.constant 0 : index
    tpu.barrier barrier_id(%barrier3A_11)
    "tpu.region"() ({
      %run_scoped3A = tpu.sem_alloc : memref<!tpu.dma_semaphore, #tpu.memory_space<semaphore_mem>>
      %dma_start3A_14 = arith.constant 0 : i32
      %dma_start3A_15 = tpu.memref_slice %arg8[%arg0, %mul3A_0, %dma_start3A_14] : memref<2x10112x64xbf16, #tpu.memory_space<hbm>> -> memref<1x632x64xbf16, #tpu.memory_space<hbm>>
      %dma_start3A_16 = tpu.memref_squeeze %dma_start3A_15 : memref<1x632x64xbf16, #tpu.memory_space<hbm>> -> memref<632x64xbf16, #tpu.memory_space<hbm>>
      %dma_start3A_17 = arith.constant 0 : i32
      %dma_start3A_18 = tpu.memref_slice %arg16[%mul3A_0, %dma_start3A_17] : memref<10112x64xbf16, #tpu.memory_space<vmem_shared>> -> memref<632x64xbf16, #tpu.memory_space<vmem_shared>>
      tpu.enqueue_dma source(%dma_start3A_18 : memref<632x64xbf16, #tpu.memory_space<vmem_shared>>) target(%dma_start3A_16 : memref<632x64xbf16, #tpu.memory_space<hbm>>) target_semaphore(%run_scoped3A : memref<!tpu.dma_semaphore, #tpu.memory_space<semaphore_mem>>)
      %dma_wait3A = arith.constant 0 : i32
      %dma_wait3A_19 = tpu.memref_slice %arg8[%arg0, %mul3A_0, %dma_wait3A] : memref<2x10112x64xbf16, #tpu.memory_space<hbm>> -> memref<1x632x64xbf16, #tpu.memory_space<hbm>>
      %dma_wait3A_20 = tpu.memref_squeeze %dma_wait3A_19 : memref<1x632x64xbf16, #tpu.memory_space<hbm>> -> memref<632x64xbf16, #tpu.memory_space<hbm>>
      %dma_wait3A_21 = arith.constant 0 : i32
      %dma_wait3A_22 = tpu.memref_slice %arg16[%mul3A_0, %dma_wait3A_21] : memref<10112x64xbf16, #tpu.memory_space<vmem_shared>> -> memref<632x64xbf16, #tpu.memory_space<vmem_shared>>
      tpu.wait_dma2 semaphore(%run_scoped3A : memref<!tpu.dma_semaphore, #tpu.memory_space<semaphore_mem>>) src(%dma_wait3A_22 : memref<632x64xbf16, #tpu.memory_space<vmem_shared>>) dst(%dma_wait3A_20 : memref<632x64xbf16, #tpu.memory_space<hbm>>)
      tpu.yield
    }) : () -> ()
    %eq3A = arith.constant 0 : i32
    %eq3A_12 = arith.cmpi eq, %arg0, %eq3A : i32
    %convert_element_type3A = arith.extui %eq3A_12 : i1 to i32
    %cond3A = arith.constant 0 : i32
    %cond3A_13 = arith.cmpi ne, %convert_element_type3A, %cond3A : i32
    scf.if %cond3A_13 {
      "tpu.region"() ({
        %run_scoped3A = tpu.sem_alloc : memref<!tpu.dma_semaphore, #tpu.memory_space<semaphore_mem>>
        %dma_start3A_14 = arith.constant 0 : i32
        %dma_start3A_15 = tpu.memref_slice %arg9[%mul3A_0, %dma_start3A_14] : memref<10112x16xf32, #tpu.memory_space<hbm>> -> memref<632x16xf32, #tpu.memory_space<hbm>>
        %dma_start3A_16 = arith.constant 0 : i32
        %dma_start3A_17 = tpu.memref_slice %arg18[%mul3A_0, %dma_start3A_16] : memref<10112x16xf32, #tpu.memory_space<vmem_shared>> -> memref<632x16xf32, #tpu.memory_space<vmem_shared>>
        tpu.enqueue_dma source(%dma_start3A_17 : memref<632x16xf32, #tpu.memory_space<vmem_shared>>) target(%dma_start3A_15 : memref<632x16xf32, #tpu.memory_space<hbm>>) target_semaphore(%run_scoped3A : memref<!tpu.dma_semaphore, #tpu.memory_space<semaphore_mem>>)
        %dma_wait3A = arith.constant 0 : i32
        %dma_wait3A_18 = tpu.memref_slice %arg9[%mul3A_0, %dma_wait3A] : memref<10112x16xf32, #tpu.memory_space<hbm>> -> memref<632x16xf32, #tpu.memory_space<hbm>>
        %dma_wait3A_19 = arith.constant 0 : i32
        %dma_wait3A_20 = tpu.memref_slice %arg18[%mul3A_0, %dma_wait3A_19] : memref<10112x16xf32, #tpu.memory_space<vmem_shared>> -> memref<632x16xf32, #tpu.memory_space<vmem_shared>>
        tpu.wait_dma2 semaphore(%run_scoped3A : memref<!tpu.dma_semaphore, #tpu.memory_space<semaphore_mem>>) src(%dma_wait3A_20 : memref<632x16xf32, #tpu.memory_space<vmem_shared>>) dst(%dma_wait3A_18 : memref<632x16xf32, #tpu.memory_space<hbm>>)
        tpu.yield
      }) : () -> ()
    } else {
    }
    return
  }
}

module attributes {stable_mosaic.version = 14 : i64} {
  func.func @body(%arg0: i32, %arg1: memref<2x1000x64xbf16, #tpu.memory_space<vmem>>, %arg2: memref<1000x16xf32, #tpu.memory_space<vmem>>, %arg3: memref<1000x128xf32, #tpu.memory_space<vmem>>, %arg4: memref<128x128xf32, #tpu.memory_space<vmem>>, %arg5: memref<128x128xf32, #tpu.memory_space<vmem>>, %arg6: memref<1x128xf32, #tpu.memory_space<vmem>>, %arg7: memref<1000x128xf32, #tpu.memory_space<vmem>>) attributes {dimension_semantics = [#tpu.dimension_semantics<arbitrary>], iteration_bounds = array<i64: 10>, scalar_prefetch = 0 : i64, scratch_operands = 0 : i64, tpu.core_type = #tpu.core_type<tc>, window_params = [{transform_indices = @transform_0, window_bounds = array<i64: 2, 1000, 64>}, {transform_indices = @transform_1, window_bounds = array<i64: 1000, 16>}, {transform_indices = @transform_2, window_bounds = array<i64: 1000, 128>}, {pipeline_mode = #tpu.pipeline_mode<synchronous>, transform_indices = @transform_3, window_bounds = array<i64: 128, 128>}, {pipeline_mode = #tpu.pipeline_mode<synchronous>, transform_indices = @transform_4, window_bounds = array<i64: 128, 128>}, {pipeline_mode = #tpu.pipeline_mode<synchronous>, transform_indices = @transform_5, window_bounds = array<i64: 1, 128>}, {transform_indices = @transform_6, window_bounds = array<i64: 1000, 128>}]} {
    %get3A = arith.constant 0 : index
    %get3A_0 = arith.constant 0 : index
    %get3A_1 = arith.constant 0 : index
    %get3A_2 = vector.load %arg1[%get3A, %get3A_0, %get3A_1] : memref<2x1000x64xbf16, #tpu.memory_space<vmem>>, vector<1x1000x64xbf16>
    %get3A_3 = vector.shape_cast %get3A_2 : vector<1x1000x64xbf16> to vector<1000x64xbf16>
    %get3A_4 = arith.constant 1 : index
    %get3A_5 = arith.constant 0 : index
    %get3A_6 = arith.constant 0 : index
    %get3A_7 = vector.load %arg1[%get3A_4, %get3A_5, %get3A_6] : memref<2x1000x64xbf16, #tpu.memory_space<vmem>>, vector<1x1000x64xbf16>
    %get3A_8 = vector.shape_cast %get3A_7 : vector<1x1000x64xbf16> to vector<1000x64xbf16>
    %concatenate3A = tpu.concatenate %get3A_3, %get3A_8 in 1 : vector<1000x64xbf16>, vector<1000x64xbf16> -> vector<1000x128xbf16>
    %convert_element_type3A = arith.extf %concatenate3A : vector<1000x128xbf16> to vector<1000x128xf32>
    %get3A_9 = arith.constant 0 : index
    %get3A_10 = arith.constant 0 : index
    %get3A_11 = vector.load %arg2[%get3A_9, %get3A_10] : memref<1000x16xf32, #tpu.memory_space<vmem>>, vector<1000x1xf32>
    %max3A = arith.constant 1.000000e+00 : f32
    %max3A_12 = vector.broadcast %max3A : f32 to vector<1000x1xf32>
    %max3A_13 = arith.maximumf %get3A_11, %max3A_12 : vector<1000x1xf32>
    %div3A = vector.broadcast %max3A_13 : vector<1000x1xf32> to vector<1000x128xf32>
    %div3A_14 = arith.divf %convert_element_type3A, %div3A : vector<1000x128xf32>
    %get3A_15 = arith.constant 0 : index
    %get3A_16 = arith.constant 0 : index
    %get3A_17 = vector.load %arg4[%get3A_15, %get3A_16] : memref<128x128xf32, #tpu.memory_space<vmem>>, vector<128x128xf32>
    %dot_general3A = arith.constant dense<0.000000e+00> : vector<1000x128xf32>
    %dot_general3A_18 = tpu.matmul %div3A_14, %get3A_17, %dot_general3A {dimension_numbers = #tpu.dot_dimension_numbers<[1], [0], [0], [1], [0, 0, 1, 1], [], []>, transpose_lhs_hint = false} : vector<1000x128xf32>, vector<128x128xf32>, vector<1000x128xf32> -> vector<1000x128xf32>
    %get3A_19 = arith.constant 0 : index
    %get3A_20 = arith.constant 0 : index
    %get3A_21 = vector.load %arg3[%get3A_19, %get3A_20] : memref<1000x128xf32, #tpu.memory_space<vmem>>, vector<1000x128xf32>
    %get3A_22 = arith.constant 0 : index
    %get3A_23 = arith.constant 0 : index
    %get3A_24 = vector.load %arg5[%get3A_22, %get3A_23] : memref<128x128xf32, #tpu.memory_space<vmem>>, vector<128x128xf32>
    %dot_general3A_25 = arith.constant dense<0.000000e+00> : vector<1000x128xf32>
    %dot_general3A_26 = tpu.matmul %get3A_21, %get3A_24, %dot_general3A_25 {dimension_numbers = #tpu.dot_dimension_numbers<[1], [0], [0], [1], [0, 0, 1, 1], [], []>, transpose_lhs_hint = false} : vector<1000x128xf32>, vector<128x128xf32>, vector<1000x128xf32> -> vector<1000x128xf32>
    %add3A = arith.addf %dot_general3A_18, %dot_general3A_26 : vector<1000x128xf32>
    %get3A_27 = arith.constant 0 : index
    %get3A_28 = arith.constant 0 : index
    %get3A_29 = vector.load %arg6[%get3A_27, %get3A_28] : memref<1x128xf32, #tpu.memory_space<vmem>>, vector<1x128xf32>
    %add3A_30 = vector.broadcast %get3A_29 : vector<1x128xf32> to vector<1000x128xf32>
    %add3A_31 = arith.addf %add3A, %add3A_30 : vector<1000x128xf32>
    %max3A_32 = arith.constant 0.000000e+00 : f32
    %max3A_33 = vector.broadcast %max3A_32 : f32 to vector<1000x128xf32>
    %max3A_34 = arith.maximumf %add3A_31, %max3A_33 : vector<1000x128xf32>
    %swap3A = arith.constant 0 : index
    %swap3A_35 = arith.constant 0 : index
    %swap3A_36 = vector.load %arg7[%swap3A, %swap3A_35] : memref<1000x128xf32, #tpu.memory_space<vmem>>, vector<1000x128xf32>
    tpu.vector_store %arg7[%swap3A, %swap3A_35], %max3A_34 {strides = array<i32>} : memref<1000x128xf32, #tpu.memory_space<vmem>>, vector<1000x128xf32>,
    return
  }
  func.func @transform_0(%arg0: i32) -> (i32, i32, i32) {
    %c0_i32 = arith.constant 0 : i32
    %c0_i32_0 = arith.constant 0 : i32
    %c0_i32_1 = arith.constant 0 : i32
    return %c0_i32, %arg0, %c0_i32_0 : i32, i32, i32
  }
  func.func @transform_1(%arg0: i32) -> (i32, i32) {
    %c0_i32 = arith.constant 0 : i32
    %c0_i32_0 = arith.constant 0 : i32
    return %arg0, %c0_i32 : i32, i32
  }
  func.func @transform_2(%arg0: i32) -> (i32, i32) {
    %c0_i32 = arith.constant 0 : i32
    %c0_i32_0 = arith.constant 0 : i32
    return %arg0, %c0_i32 : i32, i32
  }
  func.func @transform_3(%arg0: i32) -> (i32, i32) {
    %c0_i32 = arith.constant 0 : i32
    %c0_i32_0 = arith.constant 0 : i32
    %c0_i32_1 = arith.constant 0 : i32
    return %c0_i32, %c0_i32_0 : i32, i32
  }
  func.func @transform_4(%arg0: i32) -> (i32, i32) {
    %c0_i32 = arith.constant 0 : i32
    %c0_i32_0 = arith.constant 0 : i32
    %c0_i32_1 = arith.constant 0 : i32
    return %c0_i32, %c0_i32_0 : i32, i32
  }
  func.func @transform_5(%arg0: i32) -> (i32, i32) {
    %c0_i32 = arith.constant 0 : i32
    %c0_i32_0 = arith.constant 0 : i32
    %c0_i32_1 = arith.constant 0 : i32
    return %c0_i32, %c0_i32_0 : i32, i32
  }
  func.func @transform_6(%arg0: i32) -> (i32, i32) {
    %c0_i32 = arith.constant 0 : i32
    %c0_i32_0 = arith.constant 0 : i32
    return %arg0, %c0_i32 : i32, i32
  }
}

module attributes {stable_mosaic.version = 14 : i64} {
  func.func @body(%arg0: i32, %arg1: memref<2x1000x64xbf16, #tpu.memory_space<vmem>>, %arg2: memref<1000x16xf32, #tpu.memory_space<vmem>>, %arg3: memref<1000x128xf32, #tpu.memory_space<vmem>>, %arg4: memref<128x128xf32, #tpu.memory_space<vmem>>, %arg5: memref<128x128xf32, #tpu.memory_space<vmem>>, %arg6: memref<1x128xf32, #tpu.memory_space<vmem>>, %arg7: memref<1000x128xf32, #tpu.memory_space<vmem>>) attributes {dimension_semantics = [#tpu.dimension_semantics<arbitrary>], iteration_bounds = array<i64: 10>, scalar_prefetch = 0 : i64, scratch_operands = 0 : i64, tpu.core_type = #tpu.core_type<tc>, window_params = [{transform_indices = @transform_0, window_bounds = array<i64: 2, 1000, 64>}, {transform_indices = @transform_1, window_bounds = array<i64: 1000, 16>}, {transform_indices = @transform_2, window_bounds = array<i64: 1000, 128>}, {pipeline_mode = #tpu.pipeline_mode<synchronous>, transform_indices = @transform_3, window_bounds = array<i64: 128, 128>}, {pipeline_mode = #tpu.pipeline_mode<synchronous>, transform_indices = @transform_4, window_bounds = array<i64: 128, 128>}, {pipeline_mode = #tpu.pipeline_mode<synchronous>, transform_indices = @transform_5, window_bounds = array<i64: 1, 128>}, {transform_indices = @transform_6, window_bounds = array<i64: 1000, 128>}]} {
    %get3A = arith.constant 0 : index
    %get3A_0 = arith.constant 0 : index
    %get3A_1 = arith.constant 0 : index
    %get3A_2 = vector.load %arg1[%get3A, %get3A_0, %get3A_1] : memref<2x1000x64xbf16, #tpu.memory_space<vmem>>, vector<1x1000x64xbf16>
    %get3A_3 = vector.shape_cast %get3A_2 : vector<1x1000x64xbf16> to vector<1000x64xbf16>
    %get3A_4 = arith.constant 1 : index
    %get3A_5 = arith.constant 0 : index
    %get3A_6 = arith.constant 0 : index
    %get3A_7 = vector.load %arg1[%get3A_4, %get3A_5, %get3A_6] : memref<2x1000x64xbf16, #tpu.memory_space<vmem>>, vector<1x1000x64xbf16>
    %get3A_8 = vector.shape_cast %get3A_7 : vector<1x1000x64xbf16> to vector<1000x64xbf16>
    %concatenate3A = tpu.concatenate %get3A_3, %get3A_8 in 1 : vector<1000x64xbf16>, vector<1000x64xbf16> -> vector<1000x128xbf16>
    %convert_element_type3A = arith.extf %concatenate3A : vector<1000x128xbf16> to vector<1000x128xf32>
    %get3A_9 = arith.constant 0 : index
    %get3A_10 = arith.constant 0 : index
    %get3A_11 = vector.load %arg2[%get3A_9, %get3A_10] : memref<1000x16xf32, #tpu.memory_space<vmem>>, vector<1000x1xf32>
    %max3A = arith.constant 1.000000e+00 : f32
    %max3A_12 = vector.broadcast %max3A : f32 to vector<1000x1xf32>
    %max3A_13 = arith.maximumf %get3A_11, %max3A_12 : vector<1000x1xf32>
    %div3A = vector.broadcast %max3A_13 : vector<1000x1xf32> to vector<1000x128xf32>
    %div3A_14 = arith.divf %convert_element_type3A, %div3A : vector<1000x128xf32>
    %get3A_15 = arith.constant 0 : index
    %get3A_16 = arith.constant 0 : index
    %get3A_17 = vector.load %arg4[%get3A_15, %get3A_16] : memref<128x128xf32, #tpu.memory_space<vmem>>, vector<128x128xf32>
    %dot_general3A = arith.constant dense<0.000000e+00> : vector<1000x128xf32>
    %dot_general3A_18 = tpu.matmul %div3A_14, %get3A_17, %dot_general3A {dimension_numbers = #tpu.dot_dimension_numbers<[1], [0], [0], [1], [0, 0, 1, 1], [], []>, transpose_lhs_hint = false} : vector<1000x128xf32>, vector<128x128xf32>, vector<1000x128xf32> -> vector<1000x128xf32>
    %get3A_19 = arith.constant 0 : index
    %get3A_20 = arith.constant 0 : index
    %get3A_21 = vector.load %arg3[%get3A_19, %get3A_20] : memref<1000x128xf32, #tpu.memory_space<vmem>>, vector<1000x128xf32>
    %get3A_22 = arith.constant 0 : index
    %get3A_23 = arith.constant 0 : index
    %get3A_24 = vector.load %arg5[%get3A_22, %get3A_23] : memref<128x128xf32, #tpu.memory_space<vmem>>, vector<128x128xf32>
    %dot_general3A_25 = arith.constant dense<0.000000e+00> : vector<1000x128xf32>
    %dot_general3A_26 = tpu.matmul %get3A_21, %get3A_24, %dot_general3A_25 {dimension_numbers = #tpu.dot_dimension_numbers<[1], [0], [0], [1], [0, 0, 1, 1], [], []>, transpose_lhs_hint = false} : vector<1000x128xf32>, vector<128x128xf32>, vector<1000x128xf32> -> vector<1000x128xf32>
    %add3A = arith.addf %dot_general3A_18, %dot_general3A_26 : vector<1000x128xf32>
    %get3A_27 = arith.constant 0 : index
    %get3A_28 = arith.constant 0 : index
    %get3A_29 = vector.load %arg6[%get3A_27, %get3A_28] : memref<1x128xf32, #tpu.memory_space<vmem>>, vector<1x128xf32>
    %add3A_30 = vector.broadcast %get3A_29 : vector<1x128xf32> to vector<1000x128xf32>
    %add3A_31 = arith.addf %add3A, %add3A_30 : vector<1000x128xf32>
    %swap3A = arith.constant 0 : index
    %swap3A_32 = arith.constant 0 : index
    %swap3A_33 = vector.load %arg7[%swap3A, %swap3A_32] : memref<1000x128xf32, #tpu.memory_space<vmem>>, vector<1000x128xf32>
    tpu.vector_store %arg7[%swap3A, %swap3A_32], %add3A_31 {strides = array<i32>} : memref<1000x128xf32, #tpu.memory_space<vmem>>, vector<1000x128xf32>,
    return
  }
  func.func @transform_0(%arg0: i32) -> (i32, i32, i32) {
    %c0_i32 = arith.constant 0 : i32
    %c0_i32_0 = arith.constant 0 : i32
    %c0_i32_1 = arith.constant 0 : i32
    return %c0_i32, %arg0, %c0_i32_0 : i32, i32, i32
  }
  func.func @transform_1(%arg0: i32) -> (i32, i32) {
    %c0_i32 = arith.constant 0 : i32
    %c0_i32_0 = arith.constant 0 : i32
    return %arg0, %c0_i32 : i32, i32
  }
  func.func @transform_2(%arg0: i32) -> (i32, i32) {
    %c0_i32 = arith.constant 0 : i32
    %c0_i32_0 = arith.constant 0 : i32
    return %arg0, %c0_i32 : i32, i32
  }
  func.func @transform_3(%arg0: i32) -> (i32, i32) {
    %c0_i32 = arith.constant 0 : i32
    %c0_i32_0 = arith.constant 0 : i32
    %c0_i32_1 = arith.constant 0 : i32
    return %c0_i32, %c0_i32_0 : i32, i32
  }
  func.func @transform_4(%arg0: i32) -> (i32, i32) {
    %c0_i32 = arith.constant 0 : i32
    %c0_i32_0 = arith.constant 0 : i32
    %c0_i32_1 = arith.constant 0 : i32
    return %c0_i32, %c0_i32_0 : i32, i32
  }
  func.func @transform_5(%arg0: i32) -> (i32, i32) {
    %c0_i32 = arith.constant 0 : i32
    %c0_i32_0 = arith.constant 0 : i32
    %c0_i32_1 = arith.constant 0 : i32
    return %c0_i32, %c0_i32_0 : i32, i32
  }
  func.func @transform_6(%arg0: i32) -> (i32, i32) {
    %c0_i32 = arith.constant 0 : i32
    %c0_i32_0 = arith.constant 0 : i32
    return %arg0, %c0_i32 : i32, i32
  }
}

</mosaic_0001>

<sc_bundles>
// kernel: kernel.6.cloned.1.call-start
scs
__scs_entry_jumppad:
0x0: {  	(pc) =	sbr.rel $0x88, $3  }
0x1: {  	(tag) =	ssettag $0x0;
	lr =	simm.s32 $0x1  }
0x2: {  	[smem:$0x3F99] =	sst lr;
	_ =	strace $0xD0000000  }
0x3: {  	_ = 	snop  }
0x4: {  	_ = 	snop  }
0x5: {  	_ = 	snop  }
0x6: {  	_ = 	snop  }
0x7: {  	_ = 	snop  }
__scs_overlays_trampoline_lowered:
0x8: {  	[smem:$0x3FA8] =	sst s0  }
0x9: {  	[smem:$0x3FA9] =	sst s1  }
0xa: {  	[smem:$0x3FAA] =	sst s2  }
0xb: {  	[smem:$0x3FAB] =	sst s3  }
0xc: {  	[smem:$0x3FAC] =	sst s4  }
0xd: {  	[smem:$0x3FAD] =	sst s5  }
0xe: {  	[smem:$0x3FAE] =	sst s6  }
0xf: {  	[smem:$0x3FAF] =	sst s7  }
0x10: {  	[smem:$0x3FB0] =	sst s8  }
0x11: {  	[smem:$0x3FB1] =	sst s9;
	s0 =	simm.s32 @!p0 $0x0  }
0x12: {  	s1 =	sld [smem:$0x3F97];
	s0 =	simm.s32 @p0 $0x1  }
0x13: {  	[smem:$0x3FB2] =	sst s0;
	s0 =	simm.s32 @!p1 $0x0  }
0x14: {  	s2 =	sld [smem:$0x3F96];
	s0 =	simm.s32 @p1 $0x1  }
0x15: {  	[smem:$0x3FB3] =	sst s0;
	s0 =	simm.s32 @!p2 $0x0  }
0x16: {  	s3 =	sld [smem:$0x3FDB];
	s0 =	simm.s32 @p2 $0x1  }
0x17: {  	s4 =	simm.s32 $0x1BF5;
	[smem:$0x3FB5] =	sst s0  }
0x18: {  	s0 =	sld [smem:$0x3F98];
	_ =	swait.ge [sflag:s4], $0x0  }
0x19: {  	s7 =	sld [smem:$0x3F99]  }
0x1a: {  	s8 =	sadd.s32 $0xFFFFE003, lr  }
0x1b: {  	s9 =	sadd.s32 $0xFFFFFEF7, lr;
	s5 =	simm.s32 $0xFFFFFFFF;
	p2 =	slt.u32 s8, $0xFFFFF086  }
0x1c: {  	p1 =	slt.u32 s9, $0xF7A;
	s5 =	simm.s32 @!p2 $0x0  }
0x1d: {  	s5 =	simm.s32 @p1 $0x1;
	p0 =	seq.s32 s7, s2  }
0x1e: {  	s7 =	smul.u32 @!p0 $0xF7A, s2;
	p2 =	seq.s32 @!p0 s5, $0x0  }
0x1f: {  	s9 =	smul.u32 $0xF7A, s1;
	s8 =	simm.s32 @!p0 $0x1BF5;
	p2 =	por !p2, p0  }
0x20: {  	[sflag:s8] =	ssyncset.s32 @!p0 $0xFFFFF086;
	s6 =	sadd.s32 @!p0 s3, s7;
	s7 =	simm.s32 @!p0 $0x108  }
0x21: {  	s3 =	sadd.s32 s3, s9;
	s6 =	sadd.s32 @!p0 $0x88, s6;
	s7 =	simm.s32 @p2 $0x1082  }
0x22: {  	[simem:s7], [sflag:s8] =	dma.local @!p0 [hbm:s6], $0xF7A  }
0x23: {  	s9 =	sor.u32 $0xD0000000, s2;
	s6 =	simm.s32 $0x108;
	_ =	swait.ge @!p0 [sflag:s8], $0x0  }
0x24: {  	s3 =	sadd.s32 $0x88, s3;
	s6 =	simm.s32 @!p1 $0x1082;
	[sflag:s4] =	ssyncset.s32 $0xFFFFF086  }
0x25: {  	[simem:s6], [sflag:s4] =	dma.local [hbm:s3], $0xF7A  }
0x26: {  	[smem:$0x3F99] =	sst s1;
	(tag) =	ssettag s2;
	_ =	strace s9  }
0x27: {  	s1 =	sld [smem:$0x3FA9]  }
0x28: {  	s2 =	sld [smem:$0x3FAA]  }
0x29: {  	s4 =	sld [smem:$0x3FAC]  }
0x2a: {  	p0 =	seq.s32 s5, $0x0;
	s5 =	sld [smem:$0x3FAD]  }
0x2b: {  	s6 =	sld [smem:$0x3FAE]  }
0x2c: {  	s7 =	sld [smem:$0x3FAF]  }
0x2d: {  	s3 =	simm.s32 $0x108;
	s8 =	sld [smem:$0x3FB0]  }
0x2e: {  	s3 =	simm.s32 @!p0 $0x1082;
	s9 =	sld [smem:$0x3FB1]  }
0x2f: {  	lr =	sadd.s32 s0, s3;
	s0 =	sld [smem:$0x3FA8]  }
0x30: {  	s3 =	sld [smem:$0x3FAB]  }
0x31: {  	[smem:$0x3FB4] =	sst s10  }
0x32: {  	s10 =	sld [smem:$0x3FB2];
	_ =	sdelay $0x3  }
0x33: {  	p0 =	seq.s32 s10, $0x1;
	s10 =	sld [smem:$0x3FB4];
	_ =	sdelay $0x3  }
0x34: {  	[smem:$0x3FB4] =	sst s10  }
0x35: {  	s10 =	sld [smem:$0x3FB3];
	_ =	sdelay $0x3  }
0x36: {  	p1 =	seq.s32 s10, $0x1;
	s10 =	sld [smem:$0x3FB4];
	_ =	sdelay $0x3  }
0x37: {  	[smem:$0x3FB4] =	sst s10  }
0x38: {  	s10 =	sld [smem:$0x3FB5]  }
0x39: {  	_ = 	snop;
	(pc) =	sbr.ind lr, $3  }
0x3a: {  	_ = 	snop  }
0x3b: {  	_ = 	snop  }
0x3c: {  	p2 =	seq.s32 s10, $0x1;
	s10 =	sld [smem:$0x3FB4]  }
0x3d: {  	_ =	shalt  }
0x3e: {  	_ =	shalt  }
0x3f: {  	_ =	shalt  }
0x40: {  	_ =	shalt  }
0x41: {  	_ =	shalt  }
0x42: {  	_ =	shalt  }
0x43: {  	_ =	shalt  }
0x44: {  	_ =	shalt  }
0x45: {  	_ =	shalt  }
0x46: {  	_ =	shalt  }
0x47: {  	_ =	shalt  }
0x48: {  	_ =	shalt  }
0x49: {  	_ =	shalt  }
0x4a: {  	_ =	shalt  }
0x4b: {  	_ =	shalt  }
0x4c: {  	_ =	shalt  }
0x4d: {  	_ =	shalt  }
0x4e: {  	_ =	shalt  }
0x4f: {  	_ =	shalt  }
0x50: {  	_ =	shalt  }
0x51: {  	_ =	shalt  }
0x52: {  	_ =	shalt  }
0x53: {  	_ =	shalt  }
0x54: {  	_ =	shalt  }
0x55: {  	_ =	shalt  }
0x56: {  	_ =	shalt  }
0x57: {  	_ =	shalt  }
0x58: {  	_ =	shalt  }
0x59: {  	_ =	shalt  }
0x5a: {  	_ =	shalt  }
0x5b: {  	_ =	shalt  }
0x5c: {  	_ =	shalt  }
0x5d: {  	_ =	shalt  }
0x5e: {  	_ =	shalt  }
0x5f: {  	_ =	shalt  }
0x60: {  	_ =	shalt  }
0x61: {  	_ =	shalt  }
0x62: {  	_ =	shalt  }
0x63: {  	_ =	shalt  }
0x64: {  	_ =	shalt  }
0x65: {  	_ =	shalt  }
0x66: {  	_ =	shalt  }
0x67: {  	_ =	shalt  }
0x68: {  	_ =	shalt  }
0x69: {  	_ =	shalt  }
0x6a: {  	_ =	shalt  }
0x6b: {  	_ =	shalt  }
0x6c: {  	_ =	shalt  }
0x6d: {  	_ =	shalt  }
0x6e: {  	_ =	shalt  }
0x6f: {  	_ =	shalt  }
0x70: {  	_ =	shalt  }
0x71: {  	_ =	shalt  }
0x72: {  	_ =	shalt  }
0x73: {  	_ =	shalt  }
0x74: {  	_ =	shalt  }
0x75: {  	_ =	shalt  }
0x76: {  	_ =	shalt  }
0x77: {  	_ =	shalt  }
0x78: {  	_ =	shalt  }
0x79: {  	_ =	shalt  }
0x7a: {  	_ =	shalt  }
0x7b: {  	_ =	shalt  }
0x7c: {  	_ =	shalt  }
0x7d: {  	_ =	shalt  }
0x7e: {  	_ =	shalt  }
0x7f: {  	_ =	shalt  }
0x80: {  	_ =	shalt  }
0x81: {  	_ =	shalt  }
0x82: {  	_ =	shalt  }
0x83: {  	_ =	shalt  }
0x84: {  	_ =	shalt  }
0x85: {  	_ =	shalt  }
0x86: {  	_ =	shalt  }
0x87: {  	_ =	shalt  }
.Lfunc_end0:
.L_simem_size_0:
called_computation_lowered:
.L_overlay_start_0:
0x88: {  	s2 =	sld [smem:$0x3FD9]  }
0x89: {  	s3 =	sld [smem:$0x3FFE];
	_ =	sdelay $0x1  }
0x8a: {  	s1 =	srdreg.scid  }
0x8b: {  	s0 =	sand.u32 $0x1, s1  }
0x8c: {  	s17 =	sshll.u32 s0, $0xA;
	s2 =	sadd.s32 s3, s2  }
0x8d: {  	s2 =	sadd.s32 s2, s17  }
0x8e: {  	[smem:$0x3FC0] =	sst s2  }
0x8f: {  	_ = 	snop  }
0x90: {  	s2 =	sld [smem:$0x3FD0];
	(tm) =	ssettm $0x1  }
0x91: {  	s18 =	sld [smem:$0x3FFB];
	_ =	sdelay $0x3  }
0x92: {  	_ =	strace s18  }
0x93: {  	s3 =	sld [smem:$0x3FFC];
	_ =	sdelay $0x3  }
0x94: {  	_ =	strace s3  }
0x95: {  	s3 =	sld [smem:$0x3FFD];
	_ =	sdelay $0x3  }
0x96: {  	_ =	strace s3  }
0x97: {  	_ =	strace $0x8FFFFFFF  }
0x98: {  	s19 =	sld [smem:$0x3FDB];
	_ =	sdelay $0x1  }
0x99: {  	s4 =	simm.s32 $_scs_section_size  }
0x9a: {  	s5 =	simm.s32 $_size__tile_overlayer_lowered;
	s6 =	simm.s32 $_tile_overlayer_lowered  }
0x9b: {  	s22 =	simm.s32 $0x1BFF;
	s21 =	sshll.u32 s6, $0x1;
	s3 =	sadd.s32 s4, s19  }
0x9c: {  	s7 =	simm.s32 $0x0;
	s20 =	sshll.u32 s5, $0x1;
	s5 =	sadd.s32 s21, s3  }
0x9d: {  	[timem:s7], [sflag:s22] =	dma.local [hbm:s5], s20  }
0x9e: {  	_ =	swait.ge [sflag:s22], s20  }
0x9f: {  	s4 =	ssub.s32 $0x0, s20;
	[sflag:s22] =	ssyncset.done $0x0  }
0xa0: {  	[sflag:s22] =	ssyncadd.s32 s4;
	_ =	sdelay $0x1  }
0xa1: {  	s23 =	simm.s32 $0x1B8B  }
0xa2: {  	_ =	swait.ge [sflag:s23], $0x1  }
0xa3: {  	[sflag:s23] =	ssyncset.done $0x0  }
0xa4: {  	s25 =	simm.s32 $0x1B8E;
	s24 =	sld [smem:$0x3FFE];
	[sflag:s23] =	ssyncadd.s32 $0xFFFFFFFF  }
0xa5: {  	s26 =	simm.s32 $execute0_lowered;
	[smem:$0x3FD2] =	sst s25  }
0xa6: {  	s5 =	sshll.u32 s26, $0x1;
	_ =	strace $0x80000046;
	[dreg:$0x1] =	wrdreg $0xFFFFFFFF  }
0xa7: {  	s28 =	simm.s32 $_size_execute0_lowered;
	s3 =	sadd.s32 s3, s5;
	[dreg:$0x0] =	wrdreg $0x0  }
0xa8: {  	s5 =	sshll.u32 s28, $0x1;
	[dreg:$0x2] =	wrdreg s3  }
0xa9: {  	[dreg:$0x3] =	wrdreg s5  }
0xaa: {  	[dreg:$0x4] =	wrdreg $0xC0  }
0xab: {  	_ =	task [dreg:s7], $0x5FFFF  }
0xac: {  	[dreg:$0x1] =	wrdreg $0xFFFFFFFF  }
0xad: {  	[dreg:$0x0] =	wrdreg $0x60  }
0xae: {  	[dreg:$0x2] =	wrdreg s24  }
0xaf: {  	[dreg:$0x3] =	wrdreg s2  }
0xb0: {  	[dreg:$0x4] =	wrdreg $0xA4800  }
0xb1: {  	[dreg:$0x5] =	wrdreg $0xF5800  }
0xb2: {  	[dreg:$0x6] =	wrdreg $0x9  }
0xb3: {  	_ =	task.clear_ibuf [dreg:s7], $0x7FFFF;
	_ =	strace $0x90000046  }
0xb4: {  	s29 =	simm.s32 $0x9;
	_ =	strace $0x80000048  }
0xb5: {  	_ =	swait.ge [sflag:s29], $0x1  }
0xb6: {  	[sflag:s29] =	ssyncadd.s32 $0xFFFFFFFF  }
0xb7: {  	_ =	strace $0x90000048  }
0xb8: {  	_ =	sfence  }
0xb9: {  	s30 =	sld [smem:$0x0];
	_ =	sdelay $0x2  }
0xba: {  	s31 =	sshll.u32 s1, $0xD;
	s1 =	sshrl.u32 s1, $0x2  }
0xbb: {  	s3 =	sand.u32 $0x4000, s31;
	s1 =	sadd.s32 s1, s30  }
0xbc: {  	s0 =	sor.u32 s3, s0;
	s1 =	sshll.u32 s1, $0x11  }
0xbd: {  	s0 =	sor.u32 s1, s0  }
0xbe: {  	s0 =	sadd.s32 $0x8F2B, s0  }
0xbf: {  	[sflag:s0] =	ssyncadd.remote.s32 $0x1  }
0xc0: {  	_ =	sfence.sel $0xFFFF  }
0xc1: {  	[dreg:$0x0] =	wrdreg $0xFFFFFFFF;
	(pc) =	sbr.abs _section_cstart, $3  }
0xc2: {  	[dreg:$0x1] =	wrdreg $0xFFFFFFFF  }
0xc3: {  	_ =	task.clear_ibuf [dreg:s7], $0x2FFFF;
	_ =	strace $0x9FFFFFFF  }
0xc4: {  	(tm) =	ssettm $0x7FFFFFFF  }
0xc5: {  	_ =	shalt  }
tec
execute0_lowered:
.L_overlay_start_1:
0x0: {  	(tag) =	ssettag $0x1  }
0x1: {  	s0 =	rddreg [dreg:$0x0]  }
0x2: {  	s1 =	rddreg [dreg:$0x1]  }
0x3: {  	s2 =	rddreg [dreg:$0x2]  }
0x4: {  	s4 =	srdreg.scid;
	s20 =	stileid.u32  }
0x5: {  	s3 =	rddreg [dreg:$0x3];
	s21 =	simm.s32 $0x20;
	s22 =	simm.s32 $0x9C80  }
0x6: {  	s23 =	simm.s32 $0xA080;
	s24 =	simm.s32 $0x1;
	s25 =	simm.s32 $0x4  }
0x7: {  	s26 =	simm.s32 $0x2;
	s30 =	simm.s32 $0x0;
	s6 =	smul.u32 $0x4E40, s20  }
0x8: {  	s19 =	sand.u32 $0x1, s4;
	s4 =	simm.s32 $0x0;
	s10 =	smul.u32 $0x2780, s20  }
0x9: {  	s5 =	sadd.s32 $0x1FE00, s0;
	s28 =	sadd.s32 $0x1F400, s0;
	s13 =	smul.u32 $0x9E00, s20  }
0xa: {  	s8 =	sadd.s32 $0x33E00, s0;
	s31 =	sshll.u32 s20, $0x6;
	s7 =	smul.u32 $0x4E400, s19  }
0xb: {  	[smem:$0x7FF] =	sst s4;
	s29 =	ssub.s32 $0x2, s19;
	s16 =	smul.u32 $0x9E000, s19  }
0xc: {  	p0 =	sne.s32 s19, $0x0;
	_ =	strace $0x80000047;
	[dreg:$0x5] =	wrdreg s28  }
0xd: {  	s9 =	sshrl.u32 s10, $0x3;
	s14 =	sshrl.u32 s29, $0x1;
	s15 =	sshrl.u32 s13, $0x1  }
0xe: {  	s10 =	sadd.s32 s10, s3;
	s7 =	sadd.s32 s6, s7;
	s6 =	sshrl.u32 s6, $0x3  }
0xf: {  	s17 =	ssub.s32 s29, s14;
	s18 =	sadd.s32 s15, s2;
	s13 =	sadd.s32 s13, s16  }
0x10: {  	s7 =	sshrl.u32 s7, $0x3;
	s12 =	sadd.s32 s6, s0;
	s13 =	sshrl.u32 s13, $0x4  }
0x11: {  	s15 =	smax.u32 s17, $0x1;
	s16 =	sshrl.u32 s18, $0x3;
	s17 =	simm.s32 $0x3  }
0x12: {  	s18 =	sshrl.u32 s10, $0x3;
	s11 =	sadd.s32 s7, s0;
	s7 =	sadd.s32 $0x33800, s0  }
0x13: {  	s0 =	sadd.s32 s9, s0;
	s9 =	sor.u32 $0x1C03, s31;
	s12 =	sadd.s32 $0x15600, s12  }
0x14: {  	s13 =	sadd.s32 s1, s13;
	s11 =	sadd.s32 $0x1C00, s11;
	s14 =	sadd.s32 $0x34000, s0  }
.LBB2_1:
0x15: {  	s0 =	rddreg [dreg:$0x5]  }
0x16: {  	[spmem:s16], [sflag:s9] =	dma.local [hbm:s0], $0x9E0  }
0x17: {  	_ =	swait.ge [sflag:s17], $0x9E0  }
0x18: {  	[sflag:s17] =	ssyncset.done $0x0  }
0x19: {  	[sflag:s17] =	ssyncadd.s32 $0xFFFFF620  }
0x1a: {  	[spmem:s18], [sflag:s9] =	dma.local [hbm:s7], $0x4F0  }
0x1b: {  	_ =	swait.ge [sflag:s17], $0x4F0  }
0x1c: {  	[sflag:s17] =	ssyncset.done $0x0  }
0x1d: {  	s6 =	simm.s32 $0xF380;
	[sflag:s17] =	ssyncadd.s32 $0xFFFFFB10  }
0x1e: {  	[tilespmem:s6], [sflag:$0x3] =	stream.linear.gather [hbm4b:s8+s4], $0x200, $0x38;
	[tilespmem:$0x11D00] =	vst v63  }
0x1f: {  	_ =	swait.ge [sflag:s17], $0x200  }
0x20: {  	[sflag:s17] =	ssyncset.done $0x0  }
0x21: {  	[sflag:s17] =	ssyncadd.s32 $0xFFFFFE00  }
0x22: {  	[tilespmem:s4], [sflag:$0x3] =	stream.linear.gather [hbm4b:s11+s4], $0x4E40, $0x38;
	[tilespmem:$0x11D00] =	vst v63  }
0x23: {  	_ =	swait.ge [sflag:s17], $0x4E40  }
0x24: {  	[sflag:s17] =	ssyncset.done $0x0  }
0x25: {  	s19 =	simm.s32 $0x4E40;
	[sflag:s17] =	ssyncadd.s32 $0xFFFFB1C0  }
0x26: {  	[tilespmem:s19], [sflag:$0x3] =	stream.linear.gather [hbm4b:s12+s4], $0x4E40, $0x38;
	[tilespmem:$0x11D00] =	vst v63  }
0x27: {  	_ =	swait.ge [sflag:s17], $0x4E40  }
0x28: {  	[sflag:s17] =	ssyncset.done $0x0  }
0x29: {  	[sflag:s17] =	ssyncadd.s32 $0xFFFFB1C0  }
0x2a: {  	[bflag:$0x0] =	sbarrier.arrive $0xFFFF  }
0x2b: {  	[tilespmem:s22], [sflag:$0x1] =	stream.indirect.gather [hbm4b:s5+s21], $0x20, s4, s21, $0xb8;
	[tilespmem:$0x11D00] =	vst v63  }
0x2c: {  	s20 =	simm.s32 $0x20  }
0x2d: {  	[tilespmem:s23], [sflag:$0x2] =	stream.indirect.gather [hbm4b:s5+s21], $0x20, s20, s21, $0xb8;
	[tilespmem:$0x11D00] =	vst v63  }
0x2e: {  	_ =	swait.ge [sflag:s24], $0x400  }
0x2f: {  	[sflag:s24] =	ssyncset.done $0x0  }
0x30: {  	s19 =	simm.s32 $0x4E40;
	[sflag:s24] =	ssyncadd.s32 $0xFFFFFC00  }
0x31: {  	[spmem:s2] =	stream.indirect.scatter.add.bf16 [tilespmem:s22], [sflag:$0x4], $0x20, s19, s21, $0xb8;
	[tilespmem:$0x11D00] =	vst v63  }
0x32: {  	_ =	swait.ge [sflag:s25], $0x400  }
0x33: {  	s31 =	simm.s32 @!p0 $0x4;
	[sflag:s25] =	ssyncset.done $0x0  }
0x34: {  	s1 =	simm.s32 @!p0 $0x20;
	s0 =	simm.s32 @!p0 $0xF380;
	[sflag:s25] =	ssyncadd.s32 $0xFFFFFC00  }
0x35: {  	[spmem:s3] =	stream.indirect.scatter.add.f32 @!p0 [tilespmem:s0], [sflag:$0x4], $0x10, s19, s1, $0xb8;
	[tilespmem:$0x11D00] =	vst v63  }
0x36: {  	_ =	swait.ge @!p0 [sflag:s31], $0x200  }
0x37: {  	[sflag:s31] =	ssyncset.done @!p0 $0x0  }
0x38: {  	s29 =	simm.s32 $0x40;
	[sflag:s31] =	ssyncadd.s32 @!p0 $0xFFFFFE00  }
0x39: {  	[tilespmem:s22], [sflag:$0x1] =	stream.indirect.gather [hbm4b:s5+s21], $0x20, s29, s21, $0xb8;
	[tilespmem:$0x11D00] =	vst v63  }
0x3a: {  	_ =	swait.ge [sflag:s26], $0x400  }
0x3b: {  	[sflag:s26] =	ssyncset.done $0x0  }
0x3c: {  	s19 =	simm.s32 $0x4E60;
	[sflag:s26] =	ssyncadd.s32 $0xFFFFFC00  }
0x3d: {  	[spmem:s2] =	stream.indirect.scatter.add.bf16 [tilespmem:s23], [sflag:$0x4], $0x20, s19, s21, $0xb8;
	[tilespmem:$0x11D00] =	vst v63  }
0x3e: {  	_ =	swait.ge [sflag:s25], $0x400  }
0x3f: {  	[sflag:s25] =	ssyncset.done $0x0  }
0x40: {  	s20 =	simm.s32 @!p0 $0x3;
	[sflag:s25] =	ssyncadd.s32 $0xFFFFFC00  }
0x41: {  	[spmem:s3] =	stream.indirect.scatter.add.f32 @!p0 [tilespmem:s0], [sflag:$0x3], $0x10, s19, s1, $0xb8;
	[tilespmem:$0x11D00] =	vst v63  }
0x42: {  	_ =	swait.ge @!p0 [sflag:s20], $0x200  }
0x43: {  	s28 =	simm.s32 $0x200;
	s19 =	simm.s32 $0x40;
	[sflag:s20] =	ssyncset.done @!p0 $0x0  }
.LBB2_2:
0x44: {  	s29 =	sadd.s32 $0x20, s19  }
0x45: {  	[sflag:s20] =	ssyncadd.s32 @!p0 $0xFFFFFE00;
	s6 =	smov.u32 s28;
	s28 =	sadd.s32 $0x100, s28  }
0x46: {  	[tilespmem:s23], [sflag:$0x2] =	stream.indirect.gather [hbm4b:s5+s21], $0x20, s29, s21, $0xb8;
	[tilespmem:$0x11D00] =	vst v63  }
0x47: {  	p1 =	sne.s32 s28, $0x13800;
	_ =	swait.ge [sflag:s24], $0x400  }
0x48: {  	[sflag:s24] =	ssyncset.done $0x0  }
0x49: {  	s29 =	sadd.s32 $0x4E40, s19;
	[sflag:s24] =	ssyncadd.s32 $0xFFFFFC00  }
0x4a: {  	[spmem:s2] =	stream.indirect.scatter.add.bf16 [tilespmem:s22], [sflag:$0x4], $0x20, s29, s21, $0xb8;
	[tilespmem:$0x11D00] =	vst v63  }
0x4b: {  	_ =	swait.ge [sflag:s25], $0x400  }
0x4c: {  	[sflag:s25] =	ssyncset.done $0x0  }
0x4d: {  	[sflag:s25] =	ssyncadd.s32 $0xFFFFFC00  }
0x4e: {  	[spmem:s3] =	stream.indirect.scatter.add.f32 @!p0 [tilespmem:s0], [sflag:$0x4], $0x10, s29, s1, $0xb8;
	[tilespmem:$0x11D00] =	vst v63  }
0x4f: {  	_ =	swait.ge @!p0 [sflag:s31], $0x200  }
0x50: {  	[sflag:s31] =	ssyncset.done @!p0 $0x0  }
0x51: {  	s29 =	sadd.s32 $0x40, s19;
	[sflag:s31] =	ssyncadd.s32 @!p0 $0xFFFFFE00  }
0x52: {  	[tilespmem:s22], [sflag:$0x1] =	stream.indirect.gather [hbm4b:s5+s21], $0x20, s29, s21, $0xb8;
	[tilespmem:$0x11D00] =	vst v63  }
0x53: {  	_ =	swait.ge [sflag:s26], $0x400  }
0x54: {  	[sflag:s26] =	ssyncset.done $0x0  }
0x55: {  	s19 =	sadd.s32 $0x4E60, s19;
	[sflag:s26] =	ssyncadd.s32 $0xFFFFFC00  }
0x56: {  	[spmem:s2] =	stream.indirect.scatter.add.bf16 [tilespmem:s23], [sflag:$0x4], $0x20, s19, s21, $0xb8;
	[tilespmem:$0x11D00] =	vst v63  }
0x57: {  	_ =	swait.ge [sflag:s25], $0x400  }
.Ltmp0:
0x58: {  	[sflag:s25] =	ssyncset.done $0x0;
	(pc) =	sbr.rel @p1 .LBB2_2-.Ltmp0, $4  }
0x59: {  	[sflag:s25] =	ssyncadd.s32 $0xFFFFFC00  }
0x5a: {  	[spmem:s3] =	stream.indirect.scatter.add.f32 @!p0 [tilespmem:s0], [sflag:$0x3], $0x10, s19, s1, $0xb8;
	[tilespmem:$0x11D00] =	vst v63  }
0x5b: {  	_ =	swait.ge @!p0 [sflag:s20], $0x200  }
0x5c: {  	s19 =	sshra.s32 s6, $0x2;
	[sflag:s20] =	ssyncset.done @!p0 $0x0  }
0x5d: {  	s0 =	sadd.s32 $0x20, s19;
	[sflag:s20] =	ssyncadd.s32 @!p0 $0xFFFFFE00  }
0x5e: {  	[tilespmem:s23], [sflag:$0x2] =	stream.indirect.gather [hbm4b:s5+s21], $0x20, s0, s21, $0xb8;
	[tilespmem:$0x11D00] =	vst v63  }
0x5f: {  	_ =	swait.ge [sflag:s24], $0x400  }
0x60: {  	[sflag:s24] =	ssyncset.done $0x0  }
0x61: {  	s0 =	sadd.s32 $0x4E40, s19;
	[sflag:s24] =	ssyncadd.s32 $0xFFFFFC00  }
0x62: {  	[spmem:s2] =	stream.indirect.scatter.add.bf16 [tilespmem:s22], [sflag:$0x4], $0x20, s0, s21, $0xb8;
	[tilespmem:$0x11D00] =	vst v63  }
0x63: {  	_ =	swait.ge [sflag:s25], $0x400  }
0x64: {  	s1 =	simm.s32 @!p0 $0x4;
	[sflag:s25] =	ssyncset.done $0x0  }
0x65: {  	s6 =	simm.s32 @!p0 $0x20;
	s20 =	simm.s32 @!p0 $0xF380;
	[sflag:s25] =	ssyncadd.s32 $0xFFFFFC00  }
0x66: {  	[spmem:s3] =	stream.indirect.scatter.add.f32 @!p0 [tilespmem:s20], [sflag:$0x4], $0x10, s0, s6, $0xb8;
	[tilespmem:$0x11D00] =	vst v63  }
0x67: {  	_ =	swait.ge @!p0 [sflag:s1], $0x200  }
0x68: {  	[sflag:s1] =	ssyncset.done @!p0 $0x0  }
0x69: {  	s28 =	sadd.s32 $0x40, s19;
	[sflag:s1] =	ssyncadd.s32 @!p0 $0xFFFFFE00  }
0x6a: {  	[tilespmem:s22], [sflag:$0x1] =	stream.indirect.gather [hbm4b:s5+s21], $0x20, s28, s21, $0xb8;
	[tilespmem:$0x11D00] =	vst v63  }
0x6b: {  	_ =	swait.ge [sflag:s26], $0x400  }
0x6c: {  	[sflag:s26] =	ssyncset.done $0x0  }
0x6d: {  	s0 =	sadd.s32 $0x4E60, s19;
	[sflag:s26] =	ssyncadd.s32 $0xFFFFFC00  }
0x6e: {  	[spmem:s2] =	stream.indirect.scatter.add.bf16 [tilespmem:s23], [sflag:$0x4], $0x20, s0, s21, $0xb8;
	[tilespmem:$0x11D00] =	vst v63  }
0x6f: {  	_ =	swait.ge [sflag:s25], $0x400  }
0x70: {  	[sflag:s25] =	ssyncset.done $0x0  }
0x71: {  	s19 =	simm.s32 @!p0 $0x3;
	[sflag:s25] =	ssyncadd.s32 $0xFFFFFC00  }
0x72: {  	[spmem:s3] =	stream.indirect.scatter.add.f32 @!p0 [tilespmem:s20], [sflag:$0x3], $0x10, s0, s6, $0xb8;
	[tilespmem:$0x11D00] =	vst v63  }
0x73: {  	_ =	swait.ge @!p0 [sflag:s19], $0x200  }
0x74: {  	[sflag:s19] =	ssyncset.done @!p0 $0x0  }
0x75: {  	s29 =	simm.s32 $0x4E20;
	[sflag:s19] =	ssyncadd.s32 @!p0 $0xFFFFFE00  }
0x76: {  	[tilespmem:s23], [sflag:$0x2] =	stream.indirect.gather [hbm4b:s5+s21], $0x20, s29, s21, $0xb8;
	[tilespmem:$0x11D00] =	vst v63  }
0x77: {  	_ =	swait.ge [sflag:s24], $0x400  }
0x78: {  	[sflag:s24] =	ssyncset.done $0x0  }
0x79: {  	s31 =	simm.s32 $0x9C40;
	[sflag:s24] =	ssyncadd.s32 $0xFFFFFC00  }
0x7a: {  	[spmem:s2] =	stream.indirect.scatter.add.bf16 [tilespmem:s22], [sflag:$0x4], $0x20, s31, s21, $0xb8;
	[tilespmem:$0x11D00] =	vst v63  }
0x7b: {  	_ =	swait.ge [sflag:s25], $0x400  }
0x7c: {  	[sflag:s25] =	ssyncset.done $0x0  }
0x7d: {  	s0 =	simm.s32 @p0 $0x2;
	[sflag:s25] =	ssyncadd.s32 $0xFFFFFC00  }
0x7e: {  	_ =	swait.ge @p0 [sflag:s0], $0x400  }
0x7f: {  	s28 =	simm.s32 @p0 $0x9C60;
	[sflag:s0] =	ssyncset.done @p0 $0x0  }
0x80: {  	s29 =	simm.s32 @p0 $0xA080;
	[sflag:s0] =	ssyncadd.s32 @p0 $0xFFFFFC00;
	s0 =	simm.s32 @p0 $0x20  }
0x81: {  	[spmem:s2] =	stream.indirect.scatter.add.bf16 @p0 [tilespmem:s29], [sflag:$0x4], $0x20, s28, s0, $0xb8;
	[tilespmem:$0x11D00] =	vst v63  }
0x82: {  	s0 =	simm.s32 @p0 $0x4  }
0x83: {  	_ =	swait.ge @p0 [sflag:s0], $0x400  }
0x84: {  	[sflag:s0] =	ssyncset.done @p0 $0x0  }
0x85: {  	[sflag:s0] =	ssyncadd.s32 @p0 $0xFFFFFC00;
	s0 =	simm.s32 @!p0 $0x9C40  }
0x86: {  	[spmem:s3] =	stream.indirect.scatter.add.f32 @!p0 [tilespmem:s20], [sflag:$0x4], $0x10, s0, s6, $0xb8;
	[tilespmem:$0x11D00] =	vst v63  }
0x87: {  	_ =	swait.ge @!p0 [sflag:s1], $0x200  }
0x88: {  	[sflag:s1] =	ssyncset.done @!p0 $0x0  }
0x89: {  	s0 =	simm.s32 @!p0 $0x2;
	[sflag:s1] =	ssyncadd.s32 @!p0 $0xFFFFFE00  }
0x8a: {  	_ =	swait.ge @!p0 [sflag:s0], $0x400  }
0x8b: {  	[sflag:s0] =	ssyncset.done @!p0 $0x0  }
0x8c: {  	s28 =	simm.s32 @!p0 $0xA080;
	[sflag:s0] =	ssyncadd.s32 @!p0 $0xFFFFFC00;
	s0 =	simm.s32 @!p0 $0x9C60  }
0x8d: {  	[spmem:s2] =	stream.indirect.scatter.add.bf16 @!p0 [tilespmem:s28], [sflag:$0x4], $0x20, s0, s6, $0xb8;
	[tilespmem:$0x11D00] =	vst v63  }
0x8e: {  	_ =	swait.ge @!p0 [sflag:s1], $0x400  }
0x8f: {  	[sflag:s1] =	ssyncset.done @!p0 $0x0  }
0x90: {  	[sflag:s1] =	ssyncadd.s32 @!p0 $0xFFFFFC00  }
0x91: {  	[spmem:s3] =	stream.indirect.scatter.add.f32 @!p0 [tilespmem:s20], [sflag:$0x3], $0x10, s0, s6, $0xb8;
	[tilespmem:$0x11D00] =	vst v63  }
0x92: {  	_ =	swait.ge @!p0 [sflag:s19], $0x200  }
0x93: {  	[sflag:s19] =	ssyncset.done @!p0 $0x0  }
0x94: {  	[sflag:s19] =	ssyncadd.s32 @!p0 $0xFFFFFE00  }
0x95: {  	[bflag:$0x0] =	sbarrier.arrive $0xFFFF  }
0x96: {  	[hbm:s13], [sflag:s9] =	dma.local [spmem:s16], $0x9E0  }
0x97: {  	s30 =	sadd.s32 $0x1, s30;
	_ =	swait.ge [sflag:s17], $0x9E0  }
0x98: {  	p1 =	sne.s32 s30, s15;
	[sflag:s17] =	ssyncset.done $0x0  }
.Ltmp1:
0x99: {  	s0 =	sshrl.u32 @!p0 s10, $0x3;
	[sflag:s17] =	ssyncadd.s32 $0xFFFFF620;
	(pc) =	sbr.rel @p1 .LBB2_1-.Ltmp1, $4  }
0x9a: {  	[hbm:s14], [sflag:s9] =	dma.local @!p0 [spmem:s0], $0x4F0  }
0x9b: {  	_ =	swait.ge @!p0 [sflag:s19], $0x4F0  }
0x9c: {  	[sflag:s19] =	ssyncset.done @!p0 $0x0  }
0x9d: {  	[sflag:s19] =	ssyncadd.s32 @!p0 $0xFFFFFB10  }
0x9e: {  	_ =	sfence.sel $0x180000  }
0x9f: {  	[bflag:$0x0] =	sbarrier.arrive $0xFFFF  }
0xa0: {  	_ =	strace $0x90000047  }
0xa1: {  	s0 =	stileid.u32;
	[bflag:$0x2] =	sbarrier.arrive $0xFFFF  }
0xa2: {  	p0 =	sne.s32 s0, $0x0;
	s0 =	rddreg [dreg:$0x4]  }
0xa3: {  	s0 =	sadd.s32 @!p0 $0x100000, s0  }
0xa4: {  	[sflag:s0] =	ssyncadd.tile.s32 @!p0 $0x1;
	_ =	shalt  }
.Lfunc_end2:
_tile_overlayer_lowered:
.L_overlay_start_2:
0xa5: {  	(tag) =	ssettag $0x2  }
0xa6: {  	s0 =	rddreg [dreg:$0x0];
	s2 =	stileid.u32  }
0xa7: {  	s1 =	rddreg [dreg:$0x1];
	p0 =	sne.s32 s2, $0x0  }
0xa8: {  	s3 =	rddreg [dreg:$0x2];
	[bflag:$0x3] =	sbarrier.arrive $0xFFFF;
	s2 =	simm.s32 @!p0 $0x1C03  }
0xa9: {  	[timem:s3], [sflag:s2] =	dma.local @!p0 [hbm:s0], s1  }
0xaa: {  	s0 =	simm.s32 @!p0 $0x3  }
0xab: {  	_ =	swait.ge @!p0 [sflag:s0], s1  }
0xac: {  	s1 =	ssub.s32 @!p0 $0x0, s1;
	[sflag:s0] =	ssyncset.done @!p0 $0x0  }
0xad: {  	[sflag:s0] =	ssyncadd.s32 @!p0 s1  }
0xae: {  	[bflag:$0x3] =	sbarrier.arrive $0xFFFF  }
0xaf: {  	_ =	shalt  }

// kernel: kernel.9.cloned.1.call-start
scs
__scs_entry_jumppad:
0x0: {  	(pc) =	sbr.rel $0x88, $3  }
0x1: {  	(tag) =	ssettag $0x0;
	lr =	simm.s32 $0x1  }
0x2: {  	[smem:$0x3F99] =	sst lr;
	_ =	strace $0xD0000000  }
0x3: {  	_ = 	snop  }
0x4: {  	_ = 	snop  }
0x5: {  	_ = 	snop  }
0x6: {  	_ = 	snop  }
0x7: {  	_ = 	snop  }
__scs_overlays_trampoline_lowered:
0x8: {  	[smem:$0x3FA8] =	sst s0  }
0x9: {  	[smem:$0x3FA9] =	sst s1  }
0xa: {  	[smem:$0x3FAA] =	sst s2  }
0xb: {  	[smem:$0x3FAB] =	sst s3  }
0xc: {  	[smem:$0x3FAC] =	sst s4  }
0xd: {  	[smem:$0x3FAD] =	sst s5  }
0xe: {  	[smem:$0x3FAE] =	sst s6  }
0xf: {  	[smem:$0x3FAF] =	sst s7  }
0x10: {  	[smem:$0x3FB0] =	sst s8  }
0x11: {  	[smem:$0x3FB1] =	sst s9;
	s0 =	simm.s32 @!p0 $0x0  }
0x12: {  	s1 =	sld [smem:$0x3F97];
	s0 =	simm.s32 @p0 $0x1  }
0x13: {  	[smem:$0x3FB2] =	sst s0;
	s0 =	simm.s32 @!p1 $0x0  }
0x14: {  	s2 =	sld [smem:$0x3F96];
	s0 =	simm.s32 @p1 $0x1  }
0x15: {  	[smem:$0x3FB3] =	sst s0;
	s0 =	simm.s32 @!p2 $0x0  }
0x16: {  	s3 =	sld [smem:$0x3FDB];
	s0 =	simm.s32 @p2 $0x1  }
0x17: {  	s4 =	simm.s32 $0x1BF5;
	[smem:$0x3FB5] =	sst s0  }
0x18: {  	s0 =	sld [smem:$0x3F98];
	_ =	swait.ge [sflag:s4], $0x0  }
0x19: {  	s7 =	sld [smem:$0x3F99]  }
0x1a: {  	s8 =	sadd.s32 $0xFFFFE003, lr  }
0x1b: {  	s9 =	sadd.s32 $0xFFFFFEF7, lr;
	s5 =	simm.s32 $0xFFFFFFFF;
	p2 =	slt.u32 s8, $0xFFFFF086  }
0x1c: {  	p1 =	slt.u32 s9, $0xF7A;
	s5 =	simm.s32 @!p2 $0x0  }
0x1d: {  	s5 =	simm.s32 @p1 $0x1;
	p0 =	seq.s32 s7, s2  }
0x1e: {  	s7 =	smul.u32 @!p0 $0xF7A, s2;
	p2 =	seq.s32 @!p0 s5, $0x0  }
0x1f: {  	s9 =	smul.u32 $0xF7A, s1;
	s8 =	simm.s32 @!p0 $0x1BF5;
	p2 =	por !p2, p0  }
0x20: {  	[sflag:s8] =	ssyncset.s32 @!p0 $0xFFFFF086;
	s6 =	sadd.s32 @!p0 s3, s7;
	s7 =	simm.s32 @!p0 $0x108  }
0x21: {  	s3 =	sadd.s32 s3, s9;
	s6 =	sadd.s32 @!p0 $0x88, s6;
	s7 =	simm.s32 @p2 $0x1082  }
0x22: {  	[simem:s7], [sflag:s8] =	dma.local @!p0 [hbm:s6], $0xF7A  }
0x23: {  	s9 =	sor.u32 $0xD0000000, s2;
	s6 =	simm.s32 $0x108;
	_ =	swait.ge @!p0 [sflag:s8], $0x0  }
0x24: {  	s3 =	sadd.s32 $0x88, s3;
	s6 =	simm.s32 @!p1 $0x1082;
	[sflag:s4] =	ssyncset.s32 $0xFFFFF086  }
0x25: {  	[simem:s6], [sflag:s4] =	dma.local [hbm:s3], $0xF7A  }
0x26: {  	[smem:$0x3F99] =	sst s1;
	(tag) =	ssettag s2;
	_ =	strace s9  }
0x27: {  	s1 =	sld [smem:$0x3FA9]  }
0x28: {  	s2 =	sld [smem:$0x3FAA]  }
0x29: {  	s4 =	sld [smem:$0x3FAC]  }
0x2a: {  	p0 =	seq.s32 s5, $0x0;
	s5 =	sld [smem:$0x3FAD]  }
0x2b: {  	s6 =	sld [smem:$0x3FAE]  }
0x2c: {  	s7 =	sld [smem:$0x3FAF]  }
0x2d: {  	s3 =	simm.s32 $0x108;
	s8 =	sld [smem:$0x3FB0]  }
0x2e: {  	s3 =	simm.s32 @!p0 $0x1082;
	s9 =	sld [smem:$0x3FB1]  }
0x2f: {  	lr =	sadd.s32 s0, s3;
	s0 =	sld [smem:$0x3FA8]  }
0x30: {  	s3 =	sld [smem:$0x3FAB]  }
0x31: {  	[smem:$0x3FB4] =	sst s10  }
0x32: {  	s10 =	sld [smem:$0x3FB2];
	_ =	sdelay $0x3  }
0x33: {  	p0 =	seq.s32 s10, $0x1;
	s10 =	sld [smem:$0x3FB4];
	_ =	sdelay $0x3  }
0x34: {  	[smem:$0x3FB4] =	sst s10  }
0x35: {  	s10 =	sld [smem:$0x3FB3];
	_ =	sdelay $0x3  }
0x36: {  	p1 =	seq.s32 s10, $0x1;
	s10 =	sld [smem:$0x3FB4];
	_ =	sdelay $0x3  }
0x37: {  	[smem:$0x3FB4] =	sst s10  }
0x38: {  	s10 =	sld [smem:$0x3FB5]  }
0x39: {  	_ = 	snop;
	(pc) =	sbr.ind lr, $3  }
0x3a: {  	_ = 	snop  }
0x3b: {  	_ = 	snop  }
0x3c: {  	p2 =	seq.s32 s10, $0x1;
	s10 =	sld [smem:$0x3FB4]  }
0x3d: {  	_ =	shalt  }
0x3e: {  	_ =	shalt  }
0x3f: {  	_ =	shalt  }
0x40: {  	_ =	shalt  }
0x41: {  	_ =	shalt  }
0x42: {  	_ =	shalt  }
0x43: {  	_ =	shalt  }
0x44: {  	_ =	shalt  }
0x45: {  	_ =	shalt  }
0x46: {  	_ =	shalt  }
0x47: {  	_ =	shalt  }
0x48: {  	_ =	shalt  }
0x49: {  	_ =	shalt  }
0x4a: {  	_ =	shalt  }
0x4b: {  	_ =	shalt  }
0x4c: {  	_ =	shalt  }
0x4d: {  	_ =	shalt  }
0x4e: {  	_ =	shalt  }
0x4f: {  	_ =	shalt  }
0x50: {  	_ =	shalt  }
0x51: {  	_ =	shalt  }
0x52: {  	_ =	shalt  }
0x53: {  	_ =	shalt  }
0x54: {  	_ =	shalt  }
0x55: {  	_ =	shalt  }
0x56: {  	_ =	shalt  }
0x57: {  	_ =	shalt  }
0x58: {  	_ =	shalt  }
0x59: {  	_ =	shalt  }
0x5a: {  	_ =	shalt  }
0x5b: {  	_ =	shalt  }
0x5c: {  	_ =	shalt  }
0x5d: {  	_ =	shalt  }
0x5e: {  	_ =	shalt  }
0x5f: {  	_ =	shalt  }
0x60: {  	_ =	shalt  }
0x61: {  	_ =	shalt  }
0x62: {  	_ =	shalt  }
0x63: {  	_ =	shalt  }
0x64: {  	_ =	shalt  }
0x65: {  	_ =	shalt  }
0x66: {  	_ =	shalt  }
0x67: {  	_ =	shalt  }
0x68: {  	_ =	shalt  }
0x69: {  	_ =	shalt  }
0x6a: {  	_ =	shalt  }
0x6b: {  	_ =	shalt  }
0x6c: {  	_ =	shalt  }
0x6d: {  	_ =	shalt  }
0x6e: {  	_ =	shalt  }
0x6f: {  	_ =	shalt  }
0x70: {  	_ =	shalt  }
0x71: {  	_ =	shalt  }
0x72: {  	_ =	shalt  }
0x73: {  	_ =	shalt  }
0x74: {  	_ =	shalt  }
0x75: {  	_ =	shalt  }
0x76: {  	_ =	shalt  }
0x77: {  	_ =	shalt  }
0x78: {  	_ =	shalt  }
0x79: {  	_ =	shalt  }
0x7a: {  	_ =	shalt  }
0x7b: {  	_ =	shalt  }
0x7c: {  	_ =	shalt  }
0x7d: {  	_ =	shalt  }
0x7e: {  	_ =	shalt  }
0x7f: {  	_ =	shalt  }
0x80: {  	_ =	shalt  }
0x81: {  	_ =	shalt  }
0x82: {  	_ =	shalt  }
0x83: {  	_ =	shalt  }
0x84: {  	_ =	shalt  }
0x85: {  	_ =	shalt  }
0x86: {  	_ =	shalt  }
0x87: {  	_ =	shalt  }
.Lfunc_end0:
.L_simem_size_0:
called_computation.1_lowered:
.L_overlay_start_0:
0x88: {  	s2 =	sld [smem:$0x3FD9]  }
0x89: {  	s3 =	sld [smem:$0x3FFE];
	_ =	sdelay $0x1  }
0x8a: {  	s1 =	srdreg.scid  }
0x8b: {  	s0 =	sand.u32 $0x1, s1  }
0x8c: {  	s17 =	sshll.u32 s0, $0xA;
	s2 =	sadd.s32 s3, s2  }
0x8d: {  	s2 =	sadd.s32 s2, s17  }
0x8e: {  	[smem:$0x3FC0] =	sst s2  }
0x8f: {  	_ = 	snop  }
0x90: {  	s2 =	sld [smem:$0x3FD0];
	(tm) =	ssettm $0x1  }
0x91: {  	s18 =	sld [smem:$0x3FFB];
	_ =	sdelay $0x3  }
0x92: {  	_ =	strace s18  }
0x93: {  	s3 =	sld [smem:$0x3FFC];
	_ =	sdelay $0x3  }
0x94: {  	_ =	strace s3  }
0x95: {  	s3 =	sld [smem:$0x3FFD];
	_ =	sdelay $0x3  }
0x96: {  	_ =	strace s3  }
0x97: {  	_ =	strace $0x8FFFFFFF  }
0x98: {  	s19 =	sld [smem:$0x3FDB];
	_ =	sdelay $0x1  }
0x99: {  	s4 =	simm.s32 $_scs_section_size  }
0x9a: {  	s5 =	simm.s32 $_size__tile_overlayer_lowered;
	s6 =	simm.s32 $_tile_overlayer_lowered  }
0x9b: {  	s22 =	simm.s32 $0x1BFF;
	s21 =	sshll.u32 s6, $0x1;
	s3 =	sadd.s32 s4, s19  }
0x9c: {  	s7 =	simm.s32 $0x0;
	s20 =	sshll.u32 s5, $0x1;
	s5 =	sadd.s32 s21, s3  }
0x9d: {  	[timem:s7], [sflag:s22] =	dma.local [hbm:s5], s20  }
0x9e: {  	_ =	swait.ge [sflag:s22], s20  }
0x9f: {  	s4 =	ssub.s32 $0x0, s20;
	[sflag:s22] =	ssyncset.done $0x0  }
0xa0: {  	[sflag:s22] =	ssyncadd.s32 s4;
	_ =	sdelay $0x1  }
0xa1: {  	s23 =	simm.s32 $0x1B8B  }
0xa2: {  	_ =	swait.ge [sflag:s23], $0x1  }
0xa3: {  	[sflag:s23] =	ssyncset.done $0x0  }
0xa4: {  	s25 =	simm.s32 $0x1B8E;
	s24 =	sld [smem:$0x3FFE];
	[sflag:s23] =	ssyncadd.s32 $0xFFFFFFFF  }
0xa5: {  	s26 =	simm.s32 $execute0_lowered;
	[smem:$0x3FD2] =	sst s25  }
0xa6: {  	s5 =	sshll.u32 s26, $0x1;
	_ =	strace $0x80000049;
	[dreg:$0x1] =	wrdreg $0xFFFFFFFF  }
0xa7: {  	s28 =	simm.s32 $_size_execute0_lowered;
	s3 =	sadd.s32 s3, s5;
	[dreg:$0x0] =	wrdreg $0x0  }
0xa8: {  	s5 =	sshll.u32 s28, $0x1;
	[dreg:$0x2] =	wrdreg s3  }
0xa9: {  	[dreg:$0x3] =	wrdreg s5  }
0xaa: {  	[dreg:$0x4] =	wrdreg $0xC0  }
0xab: {  	_ =	task [dreg:s7], $0x5FFFF  }
0xac: {  	[dreg:$0x1] =	wrdreg $0xFFFFFFFF  }
0xad: {  	[dreg:$0x0] =	wrdreg $0x60  }
0xae: {  	[dreg:$0x2] =	wrdreg s24  }
0xaf: {  	[dreg:$0x3] =	wrdreg s2  }
0xb0: {  	[dreg:$0x4] =	wrdreg $0xA4800  }
0xb1: {  	[dreg:$0x5] =	wrdreg $0x9  }
0xb2: {  	_ =	task.clear_ibuf [dreg:s7], $0x6FFFF;
	_ =	strace $0x90000049  }
0xb3: {  	s29 =	simm.s32 $0x9;
	_ =	strace $0x8000004B  }
0xb4: {  	_ =	swait.ge [sflag:s29], $0x1  }
0xb5: {  	[sflag:s29] =	ssyncadd.s32 $0xFFFFFFFF  }
0xb6: {  	_ =	strace $0x9000004B  }
0xb7: {  	_ =	sfence  }
0xb8: {  	s30 =	sld [smem:$0x0];
	_ =	sdelay $0x2  }
0xb9: {  	s31 =	sshll.u32 s1, $0xD;
	s1 =	sshrl.u32 s1, $0x2  }
0xba: {  	s3 =	sand.u32 $0x4000, s31;
	s1 =	sadd.s32 s1, s30  }
0xbb: {  	s0 =	sor.u32 s3, s0;
	s1 =	sshll.u32 s1, $0x11  }
0xbc: {  	s0 =	sor.u32 s1, s0  }
0xbd: {  	s0 =	sadd.s32 $0x8F2B, s0  }
0xbe: {  	[sflag:s0] =	ssyncadd.remote.s32 $0x1  }
0xbf: {  	_ =	sfence.sel $0xFFFF  }
0xc0: {  	[dreg:$0x0] =	wrdreg $0xFFFFFFFF;
	(pc) =	sbr.abs _section_cstart, $3  }
0xc1: {  	[dreg:$0x1] =	wrdreg $0xFFFFFFFF  }
0xc2: {  	_ =	task.clear_ibuf [dreg:s7], $0x2FFFF;
	_ =	strace $0x9FFFFFFF  }
0xc3: {  	(tm) =	ssettm $0x7FFFFFFF  }
tec
execute0_lowered:
.L_overlay_start_1:
0x0: {  	(tag) =	ssettag $0x1  }
0x1: {  	s1 =	srdreg.scid;
	s5 =	rddreg [dreg:$0x0]  }
0x2: {  	s0 =	stileid.u32;
	s9 =	rddreg [dreg:$0x1]  }
0x3: {  	s2 =	rddreg [dreg:$0x2];
	s3 =	simm.s32 $0x0;
	s14 =	simm.s32 $0x20  }
0x4: {  	s15 =	simm.s32 $0x9C80;
	s16 =	simm.s32 $0xA080;
	s17 =	simm.s32 $0x1  }
0x5: {  	s18 =	simm.s32 $0x2;
	s19 =	simm.s32 $0x4E20;
	s20 =	simm.s32 $0x9C40  }
0x6: {  	s21 =	simm.s32 $0x9C60;
	s22 =	simm.s32 $0x0;
	s7 =	smul.u32 $0x4E40, s0  }
0x7: {  	s6 =	sand.u32 $0x1, s1;
	s1 =	rddreg [dreg:$0x3];
	s11 =	smul.u32 $0x9E00, s0  }
0x8: {  	[smem:$0x7FF] =	sst s3;
	s31 =	sshll.u32 s0, $0x6;
	s4 =	smul.u32 $0x4E400, s6  }
0x9: {  	_ =	strace $0x8000004A;
	s10 =	ssub.s32 $0x2, s6;
	s6 =	smul.u32 $0x9E000, s6  }
0xa: {  	s29 =	sshrl.u32 s10, $0x1;
	s30 =	sshrl.u32 s11, $0x1;
	s4 =	sadd.s32 s7, s4  }
0xb: {  	s7 =	sshrl.u32 s7, $0x3;
	s10 =	ssub.s32 s10, s29;
	s13 =	sadd.s32 s30, s2  }
0xc: {  	s11 =	sadd.s32 s11, s6;
	s6 =	sor.u32 $0x1C03, s31;
	s8 =	sshrl.u32 s4, $0x3  }
0xd: {  	s4 =	sadd.s32 $0x1FE00, s5;
	s12 =	sadd.s32 s7, s5;
	s11 =	sshrl.u32 s11, $0x4  }
0xe: {  	s10 =	smax.u32 s10, $0x1;
	s8 =	sadd.s32 s8, s5;
	s5 =	sadd.s32 $0x1F400, s5  }
0xf: {  	s9 =	sadd.s32 s9, s11;
	s11 =	sshrl.u32 s13, $0x3;
	s13 =	simm.s32 $0x4E40  }
0x10: {  	s7 =	sadd.s32 $0x1C00, s8;
	s8 =	sadd.s32 $0x15600, s12;
	s12 =	simm.s32 $0x3  }
.LBB2_1:
0x11: {  	[spmem:s11], [sflag:s6] =	dma.local [hbm:s5], $0x9E0  }
0x12: {  	_ =	swait.ge [sflag:s12], $0x9E0  }
0x13: {  	[sflag:s12] =	ssyncset.done $0x0  }
0x14: {  	[sflag:s12] =	ssyncadd.s32 $0xFFFFF620  }
0x15: {  	[tilespmem:s3], [sflag:$0x3] =	stream.linear.gather [hbm4b:s7+s3], $0x4E40, $0x38;
	[tilespmem:$0xF380] =	vst v63  }
0x16: {  	_ =	swait.ge [sflag:s12], $0x4E40  }
0x17: {  	[sflag:s12] =	ssyncset.done $0x0  }
0x18: {  	[sflag:s12] =	ssyncadd.s32 $0xFFFFB1C0  }
0x19: {  	[tilespmem:s13], [sflag:$0x3] =	stream.linear.gather [hbm4b:s8+s3], $0x4E40, $0x38;
	[tilespmem:$0xF380] =	vst v63  }
0x1a: {  	_ =	swait.ge [sflag:s12], $0x4E40  }
0x1b: {  	[sflag:s12] =	ssyncset.done $0x0  }
0x1c: {  	[sflag:s12] =	ssyncadd.s32 $0xFFFFB1C0  }
0x1d: {  	[bflag:$0x0] =	sbarrier.arrive $0xFFFF  }
0x1e: {  	[tilespmem:s15], [sflag:$0x1] =	stream.indirect.gather [hbm4b:s4+s14], $0x20, s3, s14, $0xb8;
	[tilespmem:$0xF380] =	vst v63  }
0x1f: {  	s23 =	simm.s32 $0x20  }
0x20: {  	[tilespmem:s16], [sflag:$0x2] =	stream.indirect.gather [hbm4b:s4+s14], $0x20, s23, s14, $0xb8;
	[tilespmem:$0xF380] =	vst v63  }
0x21: {  	_ =	swait.ge [sflag:s17], $0x400  }
0x22: {  	[sflag:s17] =	ssyncset.done $0x0  }
0x23: {  	s29 =	simm.s32 $0x4E40;
	[sflag:s17] =	ssyncadd.s32 $0xFFFFFC00  }
0x24: {  	[spmem:s2] =	stream.indirect.scatter.add.bf16 [tilespmem:s15], [sflag:$0x3], $0x20, s29, s14, $0xb8;
	[tilespmem:$0xF380] =	vst v63  }
0x25: {  	_ =	swait.ge [sflag:s12], $0x400  }
0x26: {  	[sflag:s12] =	ssyncset.done $0x0  }
0x27: {  	s30 =	simm.s32 $0x40;
	[sflag:s12] =	ssyncadd.s32 $0xFFFFFC00  }
0x28: {  	[tilespmem:s15], [sflag:$0x1] =	stream.indirect.gather [hbm4b:s4+s14], $0x20, s30, s14, $0xb8;
	[tilespmem:$0xF380] =	vst v63  }
0x29: {  	_ =	swait.ge [sflag:s18], $0x400  }
0x2a: {  	[sflag:s18] =	ssyncset.done $0x0  }
0x2b: {  	s31 =	simm.s32 $0x4E60;
	[sflag:s18] =	ssyncadd.s32 $0xFFFFFC00  }
0x2c: {  	[spmem:s2] =	stream.indirect.scatter.add.bf16 [tilespmem:s16], [sflag:$0x3], $0x20, s31, s14, $0xb8;
	[tilespmem:$0xF380] =	vst v63  }
0x2d: {  	_ =	swait.ge [sflag:s12], $0x400  }
0x2e: {  	s24 =	simm.s32 $0x200;
	s23 =	simm.s32 $0x40;
	[sflag:s12] =	ssyncset.done $0x0  }
.LBB2_2:
0x2f: {  	s25 =	sadd.s32 $0x20, s23  }
0x30: {  	[sflag:s12] =	ssyncadd.s32 $0xFFFFFC00;
	s26 =	smov.u32 s24;
	s28 =	sadd.s32 $0x100, s24  }
0x31: {  	[tilespmem:s16], [sflag:$0x2] =	stream.indirect.gather [hbm4b:s4+s14], $0x20, s25, s14, $0xb8;
	[tilespmem:$0xF380] =	vst v63  }
0x32: {  	p0 =	sne.s32 s24, $0x13700;
	_ =	swait.ge [sflag:s17], $0x400  }
0x33: {  	[sflag:s17] =	ssyncset.done $0x0  }
0x34: {  	s24 =	sadd.s32 $0x4E40, s23;
	[sflag:s17] =	ssyncadd.s32 $0xFFFFFC00  }
0x35: {  	[spmem:s2] =	stream.indirect.scatter.add.bf16 [tilespmem:s15], [sflag:$0x3], $0x20, s24, s14, $0xb8;
	[tilespmem:$0xF380] =	vst v63  }
0x36: {  	_ =	swait.ge [sflag:s12], $0x400  }
0x37: {  	[sflag:s12] =	ssyncset.done $0x0  }
0x38: {  	s24 =	sadd.s32 $0x40, s23;
	[sflag:s12] =	ssyncadd.s32 $0xFFFFFC00  }
0x39: {  	[tilespmem:s15], [sflag:$0x1] =	stream.indirect.gather [hbm4b:s4+s14], $0x20, s24, s14, $0xb8;
	[tilespmem:$0xF380] =	vst v63  }
0x3a: {  	_ =	swait.ge [sflag:s18], $0x400  }
.Ltmp0:
0x3b: {  	[sflag:s18] =	ssyncset.done $0x0;
	(pc) =	sbr.rel @p0 .LBB2_2-.Ltmp0, $4  }
0x3c: {  	s23 =	sadd.s32 $0x4E60, s23;
	[sflag:s18] =	ssyncadd.s32 $0xFFFFFC00  }
0x3d: {  	[spmem:s2] =	stream.indirect.scatter.add.bf16 [tilespmem:s16], [sflag:$0x3], $0x20, s23, s14, $0xb8;
	[tilespmem:$0xF380] =	vst v63  }
0x3e: {  	_ =	swait.ge [sflag:s12], $0x400  }
0x3f: {  	s24 =	smov.u32 s28;
	s23 =	sshra.s32 s26, $0x2;
	[sflag:s12] =	ssyncset.done $0x0  }
0x40: {  	s24 =	sadd.s32 $0x20, s23;
	[sflag:s12] =	ssyncadd.s32 $0xFFFFFC00  }
0x41: {  	[tilespmem:s16], [sflag:$0x2] =	stream.indirect.gather [hbm4b:s4+s14], $0x20, s24, s14, $0xb8;
	[tilespmem:$0xF380] =	vst v63  }
0x42: {  	_ =	swait.ge [sflag:s17], $0x400  }
0x43: {  	[sflag:s17] =	ssyncset.done $0x0  }
0x44: {  	s29 =	sadd.s32 $0x4E40, s23;
	[sflag:s17] =	ssyncadd.s32 $0xFFFFFC00  }
0x45: {  	[spmem:s2] =	stream.indirect.scatter.add.bf16 [tilespmem:s15], [sflag:$0x3], $0x20, s29, s14, $0xb8;
	[tilespmem:$0xF380] =	vst v63  }
0x46: {  	_ =	swait.ge [sflag:s12], $0x400  }
0x47: {  	[sflag:s12] =	ssyncset.done $0x0  }
0x48: {  	s30 =	sadd.s32 $0x40, s23;
	[sflag:s12] =	ssyncadd.s32 $0xFFFFFC00  }
0x49: {  	[tilespmem:s15], [sflag:$0x1] =	stream.indirect.gather [hbm4b:s4+s14], $0x20, s30, s14, $0xb8;
	[tilespmem:$0xF380] =	vst v63  }
0x4a: {  	_ =	swait.ge [sflag:s18], $0x400  }
0x4b: {  	[sflag:s18] =	ssyncset.done $0x0  }
0x4c: {  	s31 =	sadd.s32 $0x4E60, s23;
	[sflag:s18] =	ssyncadd.s32 $0xFFFFFC00  }
0x4d: {  	[spmem:s2] =	stream.indirect.scatter.add.bf16 [tilespmem:s16], [sflag:$0x3], $0x20, s31, s14, $0xb8;
	[tilespmem:$0xF380] =	vst v63  }
0x4e: {  	_ =	swait.ge [sflag:s12], $0x400  }
0x4f: {  	[sflag:s12] =	ssyncset.done $0x0  }
0x50: {  	[sflag:s12] =	ssyncadd.s32 $0xFFFFFC00  }
0x51: {  	[tilespmem:s16], [sflag:$0x2] =	stream.indirect.gather [hbm4b:s4+s14], $0x20, s19, s14, $0xb8;
	[tilespmem:$0xF380] =	vst v63  }
0x52: {  	_ =	swait.ge [sflag:s17], $0x400  }
0x53: {  	[sflag:s17] =	ssyncset.done $0x0  }
0x54: {  	[sflag:s17] =	ssyncadd.s32 $0xFFFFFC00  }
0x55: {  	[spmem:s2] =	stream.indirect.scatter.add.bf16 [tilespmem:s15], [sflag:$0x3], $0x20, s20, s14, $0xb8;
	[tilespmem:$0xF380] =	vst v63  }
0x56: {  	_ =	swait.ge [sflag:s12], $0x400  }
0x57: {  	[sflag:s12] =	ssyncset.done $0x0  }
0x58: {  	[sflag:s12] =	ssyncadd.s32 $0xFFFFFC00  }
0x59: {  	_ =	swait.ge [sflag:s18], $0x400  }
0x5a: {  	[sflag:s18] =	ssyncset.done $0x0  }
0x5b: {  	[sflag:s18] =	ssyncadd.s32 $0xFFFFFC00  }
0x5c: {  	[spmem:s2] =	stream.indirect.scatter.add.bf16 [tilespmem:s16], [sflag:$0x3], $0x20, s21, s14, $0xb8;
	[tilespmem:$0xF380] =	vst v63  }
0x5d: {  	_ =	swait.ge [sflag:s12], $0x400  }
0x5e: {  	s22 =	sadd.s32 $0x1, s22;
	[sflag:s12] =	ssyncset.done $0x0  }
0x5f: {  	p0 =	sne.s32 s22, s10;
	[sflag:s12] =	ssyncadd.s32 $0xFFFFFC00  }
.Ltmp1:
0x60: {  	[bflag:$0x0] =	sbarrier.arrive $0xFFFF;
	(pc) =	sbr.rel @p0 .LBB2_1-.Ltmp1, $4  }
0x61: {  	[hbm:s9], [sflag:s6] =	dma.local [spmem:s11], $0x9E0  }
0x62: {  	_ =	swait.ge [sflag:s12], $0x9E0  }
0x63: {  	[sflag:s12] =	ssyncset.done $0x0  }
0x64: {  	[sflag:s12] =	ssyncadd.s32 $0xFFFFF620  }
0x65: {  	_ =	sfence.sel $0x180000  }
0x66: {  	[bflag:$0x0] =	sbarrier.arrive $0xFFFF  }
0x67: {  	p0 =	sne.s32 s0, $0x0;
	_ =	strace $0x9000004A  }
0x68: {  	s0 =	sadd.s32 @!p0 $0x100000, s1;
	[bflag:$0x2] =	sbarrier.arrive $0xFFFF  }
0x69: {  	[sflag:s0] =	ssyncadd.tile.s32 @!p0 $0x1;
	_ =	shalt  }
.Lfunc_end2:
_tile_overlayer_lowered:
.L_overlay_start_2:
0x6a: {  	(tag) =	ssettag $0x2  }
0x6b: {  	s0 =	rddreg [dreg:$0x0];
	s2 =	stileid.u32  }
0x6c: {  	s1 =	rddreg [dreg:$0x1];
	p0 =	sne.s32 s2, $0x0  }
0x6d: {  	s3 =	rddreg [dreg:$0x2];
	[bflag:$0x3] =	sbarrier.arrive $0xFFFF;
	s2 =	simm.s32 @!p0 $0x1C03  }
0x6e: {  	[timem:s3], [sflag:s2] =	dma.local @!p0 [hbm:s0], s1  }
0x6f: {  	s0 =	simm.s32 @!p0 $0x3  }
0x70: {  	_ =	swait.ge @!p0 [sflag:s0], s1  }
0x71: {  	s1 =	ssub.s32 @!p0 $0x0, s1;
	[sflag:s0] =	ssyncset.done @!p0 $0x0  }
0x72: {  	[sflag:s0] =	ssyncadd.s32 @!p0 s1  }
0x73: {  	[bflag:$0x3] =	sbarrier.arrive $0xFFFF  }
0x74: {  	_ =	shalt  }

</sc_bundles>
